<compile_context>
chip_gen: v7x
topology: tpu7x:2x2x1
jax: 0.10.2.dev20260603
libtpu: 0.0.44.dev20260713+nightly
codegen_flags: <defaults>
</compile_context>

<pallas_src>
import functools

import jax
import jax.numpy as jnp
from jax import lax
from jax.experimental import pallas as pl
from jax.experimental.pallas import tpu as pltpu
from jax.experimental.pallas import tpu_sc as plsc

BATCH = 16384
EMBED = 32
LANES = 16


@functools.lru_cache(maxsize=None)
def _make_kernel(num_cores: int, num_subcores: int):
    num_workers = num_cores * num_subcores
    b_per_w = BATCH // num_workers
    mesh = plsc.VectorSubcoreMesh(core_axis_name="c", subcore_axis_name="s")

    @functools.partial(
        pl.kernel,
        out_type=jax.ShapeDtypeStruct((BATCH,), jnp.float32),
        mesh=mesh,
        compiler_params=pltpu.CompilerParams(needs_layout_passes=False,
                                             use_tc_tiling_on_sc=False),
        scratch_types=[
            pltpu.VMEM((b_per_w,), jnp.int32),
            pltpu.VMEM((b_per_w,), jnp.int32),
            pltpu.VMEM((b_per_w, EMBED), jnp.float32),
            pltpu.VMEM((b_per_w, EMBED), jnp.float32),
            pltpu.VMEM((b_per_w,), jnp.float32),
            pltpu.SemaphoreType.DMA,
        ],
    )
    def sc_kernel(uids_hbm, iids_hbm, utab_hbm, itab_hbm, out_hbm,
                  uidx_v, iidx_v, urows_v, irows_v, out_v, sem):
        wid = lax.axis_index("s") * num_cores + lax.axis_index("c")
        base = wid * b_per_w
        pltpu.sync_copy(uids_hbm.at[pl.ds(base, b_per_w)], uidx_v)
        pltpu.sync_copy(iids_hbm.at[pl.ds(base, b_per_w)], iidx_v)
        cu = pltpu.async_copy(utab_hbm.at[uidx_v], urows_v, sem)
        ci = pltpu.async_copy(itab_hbm.at[iidx_v], irows_v, sem)
        cu.wait()
        ci.wait()

        lanes = lax.iota(jnp.int32, LANES)

        def body(g, carry):
            acc = jnp.zeros((LANES,), jnp.float32)
            for j in range(LANES):
                r = g * LANES + j
                s = (urows_v[r, pl.ds(0, LANES)] * irows_v[r, pl.ds(0, LANES)]
                     + urows_v[r, pl.ds(LANES, LANES)]
                     * irows_v[r, pl.ds(LANES, LANES)])
                acc = jnp.where(lanes == j, jnp.sum(s), acc)
            out_v[pl.ds(g * LANES, LANES)] = acc
            return carry

        lax.fori_loop(0, b_per_w // LANES, body, 0)
        pltpu.sync_copy(out_v, out_hbm.at[pl.ds(base, b_per_w)])

    return sc_kernel


def kernel(user_ids, item_ids, user_table, item_table):
    info = plsc.get_sparse_core_info()
    sc_kernel = _make_kernel(info.num_cores, info.num_subcores)
    return sc_kernel(user_ids.astype(jnp.int32), item_ids.astype(jnp.int32),
                     user_table, item_table)

# --- scband reference (transcript-rebuilt; emitter-appended) ---
"""Pipeline reference for scband-matrix-factorization-model-33251636806161 (READ-ONLY COPY).

The authoritative reference and input builder live on the scoring server;
editing this copy changes nothing except your own understanding.
"""

import jax, jax.numpy as jnp
import numpy as np

USER_COUNT = 1000000
ITEM_COUNT = 1000000
EMBED_DIM = 32
BATCH = 16384

def setup_inputs(seed: int = 0) -> dict:
    key = jax.random.key(seed)
    k1, k2, k3, k4 = jax.random.split(key, 4)
    user_ids = jax.random.randint(k1, (BATCH,), 0, USER_COUNT, dtype=jnp.int64 if jax.config.read('jax_enable_x64') else jnp.int32)
    item_ids = jax.random.randint(k2, (BATCH,), 0, ITEM_COUNT, dtype=jnp.int64 if jax.config.read('jax_enable_x64') else jnp.int32)
    # Keras Embedding default 'uniform' initializer: U(-0.05, 0.05)
    user_table = jax.random.uniform(k3, (USER_COUNT, EMBED_DIM), dtype=jnp.float32, minval=-0.05, maxval=0.05)
    item_table = jax.random.uniform(k4, (ITEM_COUNT, EMBED_DIM), dtype=jnp.float32, minval=-0.05, maxval=0.05)
    return {"user_ids": user_ids, "item_ids": item_ids, "user_table": user_table, "item_table": item_table}

def reference(user_ids, item_ids, user_table, item_table):
    user_embedding = jnp.take(user_table, user_ids, axis=0)
    item_embedding = jnp.take(item_table, item_ids, axis=0)
    predicted_interaction_probability = jnp.sum(user_embedding * item_embedding, axis=1)
    return predicted_interaction_probability

if __name__ == "__main__":
    import jax
    _d = setup_inputs()
    print(jax.jit(kernel)(*tuple(_d.values())))

</pallas_src>

<mosaic_0001>
#map = affine_map<(d0, d1) -> (0)>
#map1 = affine_map<(d0, d1) -> (0, 0)>
module attributes {stable_mosaic.version = 14 : i64} {
  func.func @sc_kernel(%arg0: i32, %arg1: i32, %arg2: memref<16384xi32, #tpu.memory_space<hbm>>, %arg3: memref<16384xi32, #tpu.memory_space<hbm>>, %arg4: memref<1000000x32xf32, #tpu.memory_space<hbm>>, %arg5: memref<1000000x32xf32, #tpu.memory_space<hbm>>, %arg6: memref<16384xf32, #tpu.memory_space<hbm>>, %arg7: memref<512xi32, #tpu.memory_space<vmem>>, %arg8: memref<512xi32, #tpu.memory_space<vmem>>, %arg9: memref<512x32xf32, #tpu.memory_space<vmem>>, %arg10: memref<512x32xf32, #tpu.memory_space<vmem>>, %arg11: memref<512xf32, #tpu.memory_space<vmem>>, %arg12: memref<!tpu.dma_semaphore, #tpu.memory_space<semaphore_mem>>) attributes {dimension_semantics = [#tpu.dimension_semantics<core_parallel>, #tpu.dimension_semantics<subcore_parallel>], iteration_bounds = array<i64: 2, 16>, scalar_prefetch = 0 : i64, scratch_operands = 6 : i64, tpu.core_type = #tpu.core_type<sc_vector_subcore>, window_params = [{transform_indices = #map}, {transform_indices = #map}, {transform_indices = #map1}, {transform_indices = #map1}, {transform_indices = #map}]} {
    %mul3A = arith.constant 2 : i32
    %mul3A_0 = arith.muli %arg1, %mul3A : i32
    %add3A = arith.addi %mul3A_0, %arg0 : i32
    %mul3A_1 = arith.constant 512 : i32
    %mul3A_2 = arith.muli %add3A, %mul3A_1 : i32
    "tpu.region"() ({
      %run_scoped3A = tpu.sem_alloc : memref<!tpu.dma_semaphore, #tpu.memory_space<semaphore_mem>>
      %dma_start3A_18 = tpu.memref_slice %arg2[%mul3A_2] : memref<16384xi32, #tpu.memory_space<hbm>> -> memref<512xi32, #tpu.memory_space<hbm>>
      %dma_start3A_19 = tpu.memref_slice %arg2[%mul3A_2] : memref<16384xi32, #tpu.memory_space<hbm>> -> memref<512xi32, #tpu.memory_space<hbm>>
      tpu.enqueue_dma source(%dma_start3A_19 : memref<512xi32, #tpu.memory_space<hbm>>) target(%arg7 : memref<512xi32, #tpu.memory_space<vmem>>) target_semaphore(%run_scoped3A : memref<!tpu.dma_semaphore, #tpu.memory_space<semaphore_mem>>)
      %dma_wait3A_20 = tpu.memref_slice %arg2[%mul3A_2] : memref<16384xi32, #tpu.memory_space<hbm>> -> memref<512xi32, #tpu.memory_space<hbm>>
      %dma_wait3A_21 = tpu.memref_slice %arg2[%mul3A_2] : memref<16384xi32, #tpu.memory_space<hbm>> -> memref<512xi32, #tpu.memory_space<hbm>>
      tpu.wait_dma2 semaphore(%run_scoped3A : memref<!tpu.dma_semaphore, #tpu.memory_space<semaphore_mem>>) src(%dma_wait3A_21 : memref<512xi32, #tpu.memory_space<hbm>>) dst(%arg7 : memref<512xi32, #tpu.memory_space<vmem>>)
      tpu.yield
    }) : () -> ()
    "tpu.region"() ({
      %run_scoped3A = tpu.sem_alloc : memref<!tpu.dma_semaphore, #tpu.memory_space<semaphore_mem>>
      %dma_start3A_18 = tpu.memref_slice %arg3[%mul3A_2] : memref<16384xi32, #tpu.memory_space<hbm>> -> memref<512xi32, #tpu.memory_space<hbm>>
      %dma_start3A_19 = tpu.memref_slice %arg3[%mul3A_2] : memref<16384xi32, #tpu.memory_space<hbm>> -> memref<512xi32, #tpu.memory_space<hbm>>
      tpu.enqueue_dma source(%dma_start3A_19 : memref<512xi32, #tpu.memory_space<hbm>>) target(%arg8 : memref<512xi32, #tpu.memory_space<vmem>>) target_semaphore(%run_scoped3A : memref<!tpu.dma_semaphore, #tpu.memory_space<semaphore_mem>>)
      %dma_wait3A_20 = tpu.memref_slice %arg3[%mul3A_2] : memref<16384xi32, #tpu.memory_space<hbm>> -> memref<512xi32, #tpu.memory_space<hbm>>
      %dma_wait3A_21 = tpu.memref_slice %arg3[%mul3A_2] : memref<16384xi32, #tpu.memory_space<hbm>> -> memref<512xi32, #tpu.memory_space<hbm>>
      tpu.wait_dma2 semaphore(%run_scoped3A : memref<!tpu.dma_semaphore, #tpu.memory_space<semaphore_mem>>) src(%dma_wait3A_21 : memref<512xi32, #tpu.memory_space<hbm>>) dst(%arg8 : memref<512xi32, #tpu.memory_space<vmem>>)
      tpu.yield
    }) : () -> ()
    %dma_start3A = arith.constant 0 : i32
    %dma_start3A_3 = arith.constant 0 : i32
    %dma_start3A_4 = tpu.memref_slice %arg4[%dma_start3A, %dma_start3A_3] : memref<1000000x32xf32, #tpu.memory_space<hbm>> -> memref<1000000x32xf32, #tpu.memory_space<hbm>>
    tpu.enqueue_indirect_dma source(%dma_start3A_4 : memref<1000000x32xf32, #tpu.memory_space<hbm>>) target(%arg9 : memref<512x32xf32, #tpu.memory_space<vmem>>) offsets(%arg7 : memref<512xi32, #tpu.memory_space<vmem>>) semaphore(%arg12 : memref<!tpu.dma_semaphore, #tpu.memory_space<semaphore_mem>>)
    %dma_start3A_5 = arith.constant 0 : i32
    %dma_start3A_6 = arith.constant 0 : i32
    %dma_start3A_7 = tpu.memref_slice %arg5[%dma_start3A_5, %dma_start3A_6] : memref<1000000x32xf32, #tpu.memory_space<hbm>> -> memref<1000000x32xf32, #tpu.memory_space<hbm>>
    tpu.enqueue_indirect_dma source(%dma_start3A_7 : memref<1000000x32xf32, #tpu.memory_space<hbm>>) target(%arg10 : memref<512x32xf32, #tpu.memory_space<vmem>>) offsets(%arg8 : memref<512xi32, #tpu.memory_space<vmem>>) semaphore(%arg12 : memref<!tpu.dma_semaphore, #tpu.memory_space<semaphore_mem>>)
    %dma_wait3A = arith.constant 0 : i32
    %dma_wait3A_8 = arith.constant 0 : i32
    %dma_wait3A_9 = tpu.memref_slice %arg4[%dma_wait3A, %dma_wait3A_8] : memref<1000000x32xf32, #tpu.memory_space<hbm>> -> memref<1000000x32xf32, #tpu.memory_space<hbm>>
    tpu.wait_indirect_dma semaphore(%arg12 : memref<!tpu.dma_semaphore, #tpu.memory_space<semaphore_mem>>) src(%dma_wait3A_9 : memref<1000000x32xf32, #tpu.memory_space<hbm>>) dst(%arg9 : memref<512x32xf32, #tpu.memory_space<vmem>>)
    %dma_wait3A_10 = arith.constant 0 : i32
    %dma_wait3A_11 = arith.constant 0 : i32
    %dma_wait3A_12 = tpu.memref_slice %arg5[%dma_wait3A_10, %dma_wait3A_11] : memref<1000000x32xf32, #tpu.memory_space<hbm>> -> memref<1000000x32xf32, #tpu.memory_space<hbm>>
    tpu.wait_indirect_dma semaphore(%arg12 : memref<!tpu.dma_semaphore, #tpu.memory_space<semaphore_mem>>) src(%dma_wait3A_12 : memref<1000000x32xf32, #tpu.memory_space<hbm>>) dst(%arg10 : memref<512x32xf32, #tpu.memory_space<vmem>>)
    %iota3A = tpu.iota {dimensions = array<i32: 0>} : vector<16xi32>
    %scan3A = arith.constant 0 : i32
    %scan3A_13 = arith.constant 0 : i32
    %scan3A_14 = arith.constant 32 : i32
    %scan3A_15 = arith.addi %scan3A_13, %scan3A_14 : i32
    %scan3A_16 = arith.constant 1 : i32
    scf.for %scan3A_18 = %scan3A_13 to %scan3A_15 step %scan3A_16  : i32 {
      %broadcast_in_dim3A = arith.constant 0.000000e+00 : f32
      %broadcast_in_dim3A_19 = vector.broadcast %broadcast_in_dim3A : f32 to vector<16xf32>
      %mul3A_20 = arith.constant 16 : i32
      %mul3A_21 = arith.muli %scan3A_18, %mul3A_20 : i32
      %add3A_22 = arith.constant 0 : i32
      %add3A_23 = arith.addi %mul3A_21, %add3A_22 : i32
      %get3A = arith.index_cast %add3A_23 : i32 to index
      %get3A_24 = arith.constant 0 : index
      %get3A_25 = tpu.vector_load %arg9[%get3A, %get3A_24] {strides = array<i32>} : memref<512x32xf32, #tpu.memory_space<vmem>>, vector<16xf32>,
      %get3A_26 = arith.index_cast %add3A_23 : i32 to index
      %get3A_27 = arith.constant 0 : index
      %get3A_28 = tpu.vector_load %arg10[%get3A_26, %get3A_27] {strides = array<i32>} : memref<512x32xf32, #tpu.memory_space<vmem>>, vector<16xf32>,
      %mul3A_29 = arith.mulf %get3A_25, %get3A_28 : vector<16xf32>
      %get3A_30 = arith.index_cast %add3A_23 : i32 to index
      %get3A_31 = arith.constant 16 : index
      %get3A_32 = tpu.vector_load %arg9[%get3A_30, %get3A_31] {strides = array<i32>} : memref<512x32xf32, #tpu.memory_space<vmem>>, vector<16xf32>,
      %get3A_33 = arith.index_cast %add3A_23 : i32 to index
      %get3A_34 = arith.constant 16 : index
      %get3A_35 = tpu.vector_load %arg10[%get3A_33, %get3A_34] {strides = array<i32>} : memref<512x32xf32, #tpu.memory_space<vmem>>, vector<16xf32>,
      %mul3A_36 = arith.mulf %get3A_32, %get3A_35 : vector<16xf32>
      %add3A_37 = arith.addf %mul3A_29, %mul3A_36 : vector<16xf32>
      %eq3A = arith.constant 0 : i32
      %eq3A_38 = vector.broadcast %eq3A : i32 to vector<16xi32>
      %eq3A_39 = arith.cmpi eq, %iota3A, %eq3A_38 : vector<16xi32>
      %reduce_sum3A = arith.constant true
      %reduce_sum3A_40 = vector.broadcast %reduce_sum3A : i1 to vector<16xi1>
      %reduce_sum3A_41 = tpu.scan <sum>, %add3A_37 masked %reduce_sum3A_40 : vector<16xf32>, vector<16xi1> -> vector<16xf32>
      %reduce_sum3A_42 = vector.extract %reduce_sum3A_41[15] : f32 from vector<16xf32>
      %broadcast_in_dim3A_43 = vector.broadcast %reduce_sum3A_42 : f32 to vector<16xf32>
      %select_n3A = arith.select %eq3A_39, %broadcast_in_dim3A_43, %broadcast_in_dim3A_19 : vector<16xi1>, vector<16xf32>
      %mul3A_44 = arith.constant 16 : i32
      %mul3A_45 = arith.muli %scan3A_18, %mul3A_44 : i32
      %add3A_46 = arith.constant 1 : i32
      %add3A_47 = arith.addi %mul3A_45, %add3A_46 : i32
      %get3A_48 = arith.index_cast %add3A_47 : i32 to index
      %get3A_49 = arith.constant 0 : index
      %get3A_50 = tpu.vector_load %arg9[%get3A_48, %get3A_49] {strides = array<i32>} : memref<512x32xf32, #tpu.memory_space<vmem>>, vector<16xf32>,
      %get3A_51 = arith.index_cast %add3A_47 : i32 to index
      %get3A_52 = arith.constant 0 : index
      %get3A_53 = tpu.vector_load %arg10[%get3A_51, %get3A_52] {strides = array<i32>} : memref<512x32xf32, #tpu.memory_space<vmem>>, vector<16xf32>,
      %mul3A_54 = arith.mulf %get3A_50, %get3A_53 : vector<16xf32>
      %get3A_55 = arith.index_cast %add3A_47 : i32 to index
      %get3A_56 = arith.constant 16 : index
      %get3A_57 = tpu.vector_load %arg9[%get3A_55, %get3A_56] {strides = array<i32>} : memref<512x32xf32, #tpu.memory_space<vmem>>, vector<16xf32>,
      %get3A_58 = arith.index_cast %add3A_47 : i32 to index
      %get3A_59 = arith.constant 16 : index
      %get3A_60 = tpu.vector_load %arg10[%get3A_58, %get3A_59] {strides = array<i32>} : memref<512x32xf32, #tpu.memory_space<vmem>>, vector<16xf32>,
      %mul3A_61 = arith.mulf %get3A_57, %get3A_60 : vector<16xf32>
      %add3A_62 = arith.addf %mul3A_54, %mul3A_61 : vector<16xf32>
      %eq3A_63 = arith.constant 1 : i32
      %eq3A_64 = vector.broadcast %eq3A_63 : i32 to vector<16xi32>
      %eq3A_65 = arith.cmpi eq, %iota3A, %eq3A_64 : vector<16xi32>
      %reduce_sum3A_66 = arith.constant true
      %reduce_sum3A_67 = vector.broadcast %reduce_sum3A_66 : i1 to vector<16xi1>
      %reduce_sum3A_68 = tpu.scan <sum>, %add3A_62 masked %reduce_sum3A_67 : vector<16xf32>, vector<16xi1> -> vector<16xf32>
      %reduce_sum3A_69 = vector.extract %reduce_sum3A_68[15] : f32 from vector<16xf32>
      %broadcast_in_dim3A_70 = vector.broadcast %reduce_sum3A_69 : f32 to vector<16xf32>
      %select_n3A_71 = arith.select %eq3A_65, %broadcast_in_dim3A_70, %select_n3A : vector<16xi1>, vector<16xf32>
      %mul3A_72 = arith.constant 16 : i32
      %mul3A_73 = arith.muli %scan3A_18, %mul3A_72 : i32
      %add3A_74 = arith.constant 2 : i32
      %add3A_75 = arith.addi %mul3A_73, %add3A_74 : i32
      %get3A_76 = arith.index_cast %add3A_75 : i32 to index
      %get3A_77 = arith.constant 0 : index
      %get3A_78 = tpu.vector_load %arg9[%get3A_76, %get3A_77] {strides = array<i32>} : memref<512x32xf32, #tpu.memory_space<vmem>>, vector<16xf32>,
      %get3A_79 = arith.index_cast %add3A_75 : i32 to index
      %get3A_80 = arith.constant 0 : index
      %get3A_81 = tpu.vector_load %arg10[%get3A_79, %get3A_80] {strides = array<i32>} : memref<512x32xf32, #tpu.memory_space<vmem>>, vector<16xf32>,
      %mul3A_82 = arith.mulf %get3A_78, %get3A_81 : vector<16xf32>
      %get3A_83 = arith.index_cast %add3A_75 : i32 to index
      %get3A_84 = arith.constant 16 : index
      %get3A_85 = tpu.vector_load %arg9[%get3A_83, %get3A_84] {strides = array<i32>} : memref<512x32xf32, #tpu.memory_space<vmem>>, vector<16xf32>,
      %get3A_86 = arith.index_cast %add3A_75 : i32 to index
      %get3A_87 = arith.constant 16 : index
      %get3A_88 = tpu.vector_load %arg10[%get3A_86, %get3A_87] {strides = array<i32>} : memref<512x32xf32, #tpu.memory_space<vmem>>, vector<16xf32>,
      %mul3A_89 = arith.mulf %get3A_85, %get3A_88 : vector<16xf32>
      %add3A_90 = arith.addf %mul3A_82, %mul3A_89 : vector<16xf32>
      %eq3A_91 = arith.constant 2 : i32
      %eq3A_92 = vector.broadcast %eq3A_91 : i32 to vector<16xi32>
      %eq3A_93 = arith.cmpi eq, %iota3A, %eq3A_92 : vector<16xi32>
      %reduce_sum3A_94 = arith.constant true
      %reduce_sum3A_95 = vector.broadcast %reduce_sum3A_94 : i1 to vector<16xi1>
      %reduce_sum3A_96 = tpu.scan <sum>, %add3A_90 masked %reduce_sum3A_95 : vector<16xf32>, vector<16xi1> -> vector<16xf32>
      %reduce_sum3A_97 = vector.extract %reduce_sum3A_96[15] : f32 from vector<16xf32>
      %broadcast_in_dim3A_98 = vector.broadcast %reduce_sum3A_97 : f32 to vector<16xf32>
      %select_n3A_99 = arith.select %eq3A_93, %broadcast_in_dim3A_98, %select_n3A_71 : vector<16xi1>, vector<16xf32>
      %mul3A_100 = arith.constant 16 : i32
      %mul3A_101 = arith.muli %scan3A_18, %mul3A_100 : i32
      %add3A_102 = arith.constant 3 : i32
      %add3A_103 = arith.addi %mul3A_101, %add3A_102 : i32
      %get3A_104 = arith.index_cast %add3A_103 : i32 to index
      %get3A_105 = arith.constant 0 : index
      %get3A_106 = tpu.vector_load %arg9[%get3A_104, %get3A_105] {strides = array<i32>} : memref<512x32xf32, #tpu.memory_space<vmem>>, vector<16xf32>,
      %get3A_107 = arith.index_cast %add3A_103 : i32 to index
      %get3A_108 = arith.constant 0 : index
      %get3A_109 = tpu.vector_load %arg10[%get3A_107, %get3A_108] {strides = array<i32>} : memref<512x32xf32, #tpu.memory_space<vmem>>, vector<16xf32>,
      %mul3A_110 = arith.mulf %get3A_106, %get3A_109 : vector<16xf32>
      %get3A_111 = arith.index_cast %add3A_103 : i32 to index
      %get3A_112 = arith.constant 16 : index
      %get3A_113 = tpu.vector_load %arg9[%get3A_111, %get3A_112] {strides = array<i32>} : memref<512x32xf32, #tpu.memory_space<vmem>>, vector<16xf32>,
      %get3A_114 = arith.index_cast %add3A_103 : i32 to index
      %get3A_115 = arith.constant 16 : index
      %get3A_116 = tpu.vector_load %arg10[%get3A_114, %get3A_115] {strides = array<i32>} : memref<512x32xf32, #tpu.memory_space<vmem>>, vector<16xf32>,
      %mul3A_117 = arith.mulf %get3A_113, %get3A_116 : vector<16xf32>
      %add3A_118 = arith.addf %mul3A_110, %mul3A_117 : vector<16xf32>
      %eq3A_119 = arith.constant 3 : i32
      %eq3A_120 = vector.broadcast %eq3A_119 : i32 to vector<16xi32>
      %eq3A_121 = arith.cmpi eq, %iota3A, %eq3A_120 : vector<16xi32>
      %reduce_sum3A_122 = arith.constant true
      %reduce_sum3A_123 = vector.broadcast %reduce_sum3A_122 : i1 to vector<16xi1>
      %reduce_sum3A_124 = tpu.scan <sum>, %add3A_118 masked %reduce_sum3A_123 : vector<16xf32>, vector<16xi1> -> vector<16xf32>
      %reduce_sum3A_125 = vector.extract %reduce_sum3A_124[15] : f32 from vector<16xf32>
      %broadcast_in_dim3A_126 = vector.broadcast %reduce_sum3A_125 : f32 to vector<16xf32>
      %select_n3A_127 = arith.select %eq3A_121, %broadcast_in_dim3A_126, %select_n3A_99 : vector<16xi1>, vector<16xf32>
      %mul3A_128 = arith.constant 16 : i32
      %mul3A_129 = arith.muli %scan3A_18, %mul3A_128 : i32
      %add3A_130 = arith.constant 4 : i32
      %add3A_131 = arith.addi %mul3A_129, %add3A_130 : i32
      %get3A_132 = arith.index_cast %add3A_131 : i32 to index
      %get3A_133 = arith.constant 0 : index
      %get3A_134 = tpu.vector_load %arg9[%get3A_132, %get3A_133] {strides = array<i32>} : memref<512x32xf32, #tpu.memory_space<vmem>>, vector<16xf32>,
      %get3A_135 = arith.index_cast %add3A_131 : i32 to index
      %get3A_136 = arith.constant 0 : index
      %get3A_137 = tpu.vector_load %arg10[%get3A_135, %get3A_136] {strides = array<i32>} : memref<512x32xf32, #tpu.memory_space<vmem>>, vector<16xf32>,
      %mul3A_138 = arith.mulf %get3A_134, %get3A_137 : vector<16xf32>
      %get3A_139 = arith.index_cast %add3A_131 : i32 to index
      %get3A_140 = arith.constant 16 : index
      %get3A_141 = tpu.vector_load %arg9[%get3A_139, %get3A_140] {strides = array<i32>} : memref<512x32xf32, #tpu.memory_space<vmem>>, vector<16xf32>,
      %get3A_142 = arith.index_cast %add3A_131 : i32 to index
      %get3A_143 = arith.constant 16 : index
      %get3A_144 = tpu.vector_load %arg10[%get3A_142, %get3A_143] {strides = array<i32>} : memref<512x32xf32, #tpu.memory_space<vmem>>, vector<16xf32>,
      %mul3A_145 = arith.mulf %get3A_141, %get3A_144 : vector<16xf32>
      %add3A_146 = arith.addf %mul3A_138, %mul3A_145 : vector<16xf32>
      %eq3A_147 = arith.constant 4 : i32
      %eq3A_148 = vector.broadcast %eq3A_147 : i32 to vector<16xi32>
      %eq3A_149 = arith.cmpi eq, %iota3A, %eq3A_148 : vector<16xi32>
      %reduce_sum3A_150 = arith.constant true
      %reduce_sum3A_151 = vector.broadcast %reduce_sum3A_150 : i1 to vector<16xi1>
      %reduce_sum3A_152 = tpu.scan <sum>, %add3A_146 masked %reduce_sum3A_151 : vector<16xf32>, vector<16xi1> -> vector<16xf32>
      %reduce_sum3A_153 = vector.extract %reduce_sum3A_152[15] : f32 from vector<16xf32>
      %broadcast_in_dim3A_154 = vector.broadcast %reduce_sum3A_153 : f32 to vector<16xf32>
      %select_n3A_155 = arith.select %eq3A_149, %broadcast_in_dim3A_154, %select_n3A_127 : vector<16xi1>, vector<16xf32>
      %mul3A_156 = arith.constant 16 : i32
      %mul3A_157 = arith.muli %scan3A_18, %mul3A_156 : i32
      %add3A_158 = arith.constant 5 : i32
      %add3A_159 = arith.addi %mul3A_157, %add3A_158 : i32
      %get3A_160 = arith.index_cast %add3A_159 : i32 to index
      %get3A_161 = arith.constant 0 : index
      %get3A_162 = tpu.vector_load %arg9[%get3A_160, %get3A_161] {strides = array<i32>} : memref<512x32xf32, #tpu.memory_space<vmem>>, vector<16xf32>,
      %get3A_163 = arith.index_cast %add3A_159 : i32 to index
      %get3A_164 = arith.constant 0 : index
      %get3A_165 = tpu.vector_load %arg10[%get3A_163, %get3A_164] {strides = array<i32>} : memref<512x32xf32, #tpu.memory_space<vmem>>, vector<16xf32>,
      %mul3A_166 = arith.mulf %get3A_162, %get3A_165 : vector<16xf32>
      %get3A_167 = arith.index_cast %add3A_159 : i32 to index
      %get3A_168 = arith.constant 16 : index
      %get3A_169 = tpu.vector_load %arg9[%get3A_167, %get3A_168] {strides = array<i32>} : memref<512x32xf32, #tpu.memory_space<vmem>>, vector<16xf32>,
      %get3A_170 = arith.index_cast %add3A_159 : i32 to index
      %get3A_171 = arith.constant 16 : index
      %get3A_172 = tpu.vector_load %arg10[%get3A_170, %get3A_171] {strides = array<i32>} : memref<512x32xf32, #tpu.memory_space<vmem>>, vector<16xf32>,
      %mul3A_173 = arith.mulf %get3A_169, %get3A_172 : vector<16xf32>
      %add3A_174 = arith.addf %mul3A_166, %mul3A_173 : vector<16xf32>
      %eq3A_175 = arith.constant 5 : i32
      %eq3A_176 = vector.broadcast %eq3A_175 : i32 to vector<16xi32>
      %eq3A_177 = arith.cmpi eq, %iota3A, %eq3A_176 : vector<16xi32>
      %reduce_sum3A_178 = arith.constant true
      %reduce_sum3A_179 = vector.broadcast %reduce_sum3A_178 : i1 to vector<16xi1>
      %reduce_sum3A_180 = tpu.scan <sum>, %add3A_174 masked %reduce_sum3A_179 : vector<16xf32>, vector<16xi1> -> vector<16xf32>
      %reduce_sum3A_181 = vector.extract %reduce_sum3A_180[15] : f32 from vector<16xf32>
      %broadcast_in_dim3A_182 = vector.broadcast %reduce_sum3A_181 : f32 to vector<16xf32>
      %select_n3A_183 = arith.select %eq3A_177, %broadcast_in_dim3A_182, %select_n3A_155 : vector<16xi1>, vector<16xf32>
      %mul3A_184 = arith.constant 16 : i32
      %mul3A_185 = arith.muli %scan3A_18, %mul3A_184 : i32
      %add3A_186 = arith.constant 6 : i32
      %add3A_187 = arith.addi %mul3A_185, %add3A_186 : i32
      %get3A_188 = arith.index_cast %add3A_187 : i32 to index
      %get3A_189 = arith.constant 0 : index
      %get3A_190 = tpu.vector_load %arg9[%get3A_188, %get3A_189] {strides = array<i32>} : memref<512x32xf32, #tpu.memory_space<vmem>>, vector<16xf32>,
      %get3A_191 = arith.index_cast %add3A_187 : i32 to index
      %get3A_192 = arith.constant 0 : index
      %get3A_193 = tpu.vector_load %arg10[%get3A_191, %get3A_192] {strides = array<i32>} : memref<512x32xf32, #tpu.memory_space<vmem>>, vector<16xf32>,
      %mul3A_194 = arith.mulf %get3A_190, %get3A_193 : vector<16xf32>
      %get3A_195 = arith.index_cast %add3A_187 : i32 to index
      %get3A_196 = arith.constant 16 : index
      %get3A_197 = tpu.vector_load %arg9[%get3A_195, %get3A_196] {strides = array<i32>} : memref<512x32xf32, #tpu.memory_space<vmem>>, vector<16xf32>,
      %get3A_198 = arith.index_cast %add3A_187 : i32 to index
      %get3A_199 = arith.constant 16 : index
      %get3A_200 = tpu.vector_load %arg10[%get3A_198, %get3A_199] {strides = array<i32>} : memref<512x32xf32, #tpu.memory_space<vmem>>, vector<16xf32>,
      %mul3A_201 = arith.mulf %get3A_197, %get3A_200 : vector<16xf32>
      %add3A_202 = arith.addf %mul3A_194, %mul3A_201 : vector<16xf32>
      %eq3A_203 = arith.constant 6 : i32
      %eq3A_204 = vector.broadcast %eq3A_203 : i32 to vector<16xi32>
      %eq3A_205 = arith.cmpi eq, %iota3A, %eq3A_204 : vector<16xi32>
      %reduce_sum3A_206 = arith.constant true
      %reduce_sum3A_207 = vector.broadcast %reduce_sum3A_206 : i1 to vector<16xi1>
      %reduce_sum3A_208 = tpu.scan <sum>, %add3A_202 masked %reduce_sum3A_207 : vector<16xf32>, vector<16xi1> -> vector<16xf32>
      %reduce_sum3A_209 = vector.extract %reduce_sum3A_208[15] : f32 from vector<16xf32>
      %broadcast_in_dim3A_210 = vector.broadcast %reduce_sum3A_209 : f32 to vector<16xf32>
      %select_n3A_211 = arith.select %eq3A_205, %broadcast_in_dim3A_210, %select_n3A_183 : vector<16xi1>, vector<16xf32>
      %mul3A_212 = arith.constant 16 : i32
      %mul3A_213 = arith.muli %scan3A_18, %mul3A_212 : i32
      %add3A_214 = arith.constant 7 : i32
      %add3A_215 = arith.addi %mul3A_213, %add3A_214 : i32
      %get3A_216 = arith.index_cast %add3A_215 : i32 to index
      %get3A_217 = arith.constant 0 : index
      %get3A_218 = tpu.vector_load %arg9[%get3A_216, %get3A_217] {strides = array<i32>} : memref<512x32xf32, #tpu.memory_space<vmem>>, vector<16xf32>,
      %get3A_219 = arith.index_cast %add3A_215 : i32 to index
      %get3A_220 = arith.constant 0 : index
      %get3A_221 = tpu.vector_load %arg10[%get3A_219, %get3A_220] {strides = array<i32>} : memref<512x32xf32, #tpu.memory_space<vmem>>, vector<16xf32>,
      %mul3A_222 = arith.mulf %get3A_218, %get3A_221 : vector<16xf32>
      %get3A_223 = arith.index_cast %add3A_215 : i32 to index
      %get3A_224 = arith.constant 16 : index
      %get3A_225 = tpu.vector_load %arg9[%get3A_223, %get3A_224] {strides = array<i32>} : memref<512x32xf32, #tpu.memory_space<vmem>>, vector<16xf32>,
      %get3A_226 = arith.index_cast %add3A_215 : i32 to index
      %get3A_227 = arith.constant 16 : index
      %get3A_228 = tpu.vector_load %arg10[%get3A_226, %get3A_227] {strides = array<i32>} : memref<512x32xf32, #tpu.memory_space<vmem>>, vector<16xf32>,
      %mul3A_229 = arith.mulf %get3A_225, %get3A_228 : vector<16xf32>
      %add3A_230 = arith.addf %mul3A_222, %mul3A_229 : vector<16xf32>
      %eq3A_231 = arith.constant 7 : i32
      %eq3A_232 = vector.broadcast %eq3A_231 : i32 to vector<16xi32>
      %eq3A_233 = arith.cmpi eq, %iota3A, %eq3A_232 : vector<16xi32>
      %reduce_sum3A_234 = arith.constant true
      %reduce_sum3A_235 = vector.broadcast %reduce_sum3A_234 : i1 to vector<16xi1>
      %reduce_sum3A_236 = tpu.scan <sum>, %add3A_230 masked %reduce_sum3A_235 : vector<16xf32>, vector<16xi1> -> vector<16xf32>
      %reduce_sum3A_237 = vector.extract %reduce_sum3A_236[15] : f32 from vector<16xf32>
      %broadcast_in_dim3A_238 = vector.broadcast %reduce_sum3A_237 : f32 to vector<16xf32>
      %select_n3A_239 = arith.select %eq3A_233, %broadcast_in_dim3A_238, %select_n3A_211 : vector<16xi1>, vector<16xf32>
      %mul3A_240 = arith.constant 16 : i32
      %mul3A_241 = arith.muli %scan3A_18, %mul3A_240 : i32
      %add3A_242 = arith.constant 8 : i32
      %add3A_243 = arith.addi %mul3A_241, %add3A_242 : i32
      %get3A_244 = arith.index_cast %add3A_243 : i32 to index
      %get3A_245 = arith.constant 0 : index
      %get3A_246 = tpu.vector_load %arg9[%get3A_244, %get3A_245] {strides = array<i32>} : memref<512x32xf32, #tpu.memory_space<vmem>>, vector<16xf32>,
      %get3A_247 = arith.index_cast %add3A_243 : i32 to index
      %get3A_248 = arith.constant 0 : index
      %get3A_249 = tpu.vector_load %arg10[%get3A_247, %get3A_248] {strides = array<i32>} : memref<512x32xf32, #tpu.memory_space<vmem>>, vector<16xf32>,
      %mul3A_250 = arith.mulf %get3A_246, %get3A_249 : vector<16xf32>
      %get3A_251 = arith.index_cast %add3A_243 : i32 to index
      %get3A_252 = arith.constant 16 : index
      %get3A_253 = tpu.vector_load %arg9[%get3A_251, %get3A_252] {strides = array<i32>} : memref<512x32xf32, #tpu.memory_space<vmem>>, vector<16xf32>,
      %get3A_254 = arith.index_cast %add3A_243 : i32 to index
      %get3A_255 = arith.constant 16 : index
      %get3A_256 = tpu.vector_load %arg10[%get3A_254, %get3A_255] {strides = array<i32>} : memref<512x32xf32, #tpu.memory_space<vmem>>, vector<16xf32>,
      %mul3A_257 = arith.mulf %get3A_253, %get3A_256 : vector<16xf32>
      %add3A_258 = arith.addf %mul3A_250, %mul3A_257 : vector<16xf32>
      %eq3A_259 = arith.constant 8 : i32
      %eq3A_260 = vector.broadcast %eq3A_259 : i32 to vector<16xi32>
      %eq3A_261 = arith.cmpi eq, %iota3A, %eq3A_260 : vector<16xi32>
      %reduce_sum3A_262 = arith.constant true
      %reduce_sum3A_263 = vector.broadcast %reduce_sum3A_262 : i1 to vector<16xi1>
      %reduce_sum3A_264 = tpu.scan <sum>, %add3A_258 masked %reduce_sum3A_263 : vector<16xf32>, vector<16xi1> -> vector<16xf32>
      %reduce_sum3A_265 = vector.extract %reduce_sum3A_264[15] : f32 from vector<16xf32>
      %broadcast_in_dim3A_266 = vector.broadcast %reduce_sum3A_265 : f32 to vector<16xf32>
      %select_n3A_267 = arith.select %eq3A_261, %broadcast_in_dim3A_266, %select_n3A_239 : vector<16xi1>, vector<16xf32>
      %mul3A_268 = arith.constant 16 : i32
      %mul3A_269 = arith.muli %scan3A_18, %mul3A_268 : i32
      %add3A_270 = arith.constant 9 : i32
      %add3A_271 = arith.addi %mul3A_269, %add3A_270 : i32
      %get3A_272 = arith.index_cast %add3A_271 : i32 to index
      %get3A_273 = arith.constant 0 : index
      %get3A_274 = tpu.vector_load %arg9[%get3A_272, %get3A_273] {strides = array<i32>} : memref<512x32xf32, #tpu.memory_space<vmem>>, vector<16xf32>,
      %get3A_275 = arith.index_cast %add3A_271 : i32 to index
      %get3A_276 = arith.constant 0 : index
      %get3A_277 = tpu.vector_load %arg10[%get3A_275, %get3A_276] {strides = array<i32>} : memref<512x32xf32, #tpu.memory_space<vmem>>, vector<16xf32>,
      %mul3A_278 = arith.mulf %get3A_274, %get3A_277 : vector<16xf32>
      %get3A_279 = arith.index_cast %add3A_271 : i32 to index
      %get3A_280 = arith.constant 16 : index
      %get3A_281 = tpu.vector_load %arg9[%get3A_279, %get3A_280] {strides = array<i32>} : memref<512x32xf32, #tpu.memory_space<vmem>>, vector<16xf32>,
      %get3A_282 = arith.index_cast %add3A_271 : i32 to index
      %get3A_283 = arith.constant 16 : index
      %get3A_284 = tpu.vector_load %arg10[%get3A_282, %get3A_283] {strides = array<i32>} : memref<512x32xf32, #tpu.memory_space<vmem>>, vector<16xf32>,
      %mul3A_285 = arith.mulf %get3A_281, %get3A_284 : vector<16xf32>
      %add3A_286 = arith.addf %mul3A_278, %mul3A_285 : vector<16xf32>
      %eq3A_287 = arith.constant 9 : i32
      %eq3A_288 = vector.broadcast %eq3A_287 : i32 to vector<16xi32>
      %eq3A_289 = arith.cmpi eq, %iota3A, %eq3A_288 : vector<16xi32>
      %reduce_sum3A_290 = arith.constant true
      %reduce_sum3A_291 = vector.broadcast %reduce_sum3A_290 : i1 to vector<16xi1>
      %reduce_sum3A_292 = tpu.scan <sum>, %add3A_286 masked %reduce_sum3A_291 : vector<16xf32>, vector<16xi1> -> vector<16xf32>
      %reduce_sum3A_293 = vector.extract %reduce_sum3A_292[15] : f32 from vector<16xf32>
      %broadcast_in_dim3A_294 = vector.broadcast %reduce_sum3A_293 : f32 to vector<16xf32>
      %select_n3A_295 = arith.select %eq3A_289, %broadcast_in_dim3A_294, %select_n3A_267 : vector<16xi1>, vector<16xf32>
      %mul3A_296 = arith.constant 16 : i32
      %mul3A_297 = arith.muli %scan3A_18, %mul3A_296 : i32
      %add3A_298 = arith.constant 10 : i32
      %add3A_299 = arith.addi %mul3A_297, %add3A_298 : i32
      %get3A_300 = arith.index_cast %add3A_299 : i32 to index
      %get3A_301 = arith.constant 0 : index
      %get3A_302 = tpu.vector_load %arg9[%get3A_300, %get3A_301] {strides = array<i32>} : memref<512x32xf32, #tpu.memory_space<vmem>>, vector<16xf32>,
      %get3A_303 = arith.index_cast %add3A_299 : i32 to index
      %get3A_304 = arith.constant 0 : index
      %get3A_305 = tpu.vector_load %arg10[%get3A_303, %get3A_304] {strides = array<i32>} : memref<512x32xf32, #tpu.memory_space<vmem>>, vector<16xf32>,
      %mul3A_306 = arith.mulf %get3A_302, %get3A_305 : vector<16xf32>
      %get3A_307 = arith.index_cast %add3A_299 : i32 to index
      %get3A_308 = arith.constant 16 : index
      %get3A_309 = tpu.vector_load %arg9[%get3A_307, %get3A_308] {strides = array<i32>} : memref<512x32xf32, #tpu.memory_space<vmem>>, vector<16xf32>,
      %get3A_310 = arith.index_cast %add3A_299 : i32 to index
      %get3A_311 = arith.constant 16 : index
      %get3A_312 = tpu.vector_load %arg10[%get3A_310, %get3A_311] {strides = array<i32>} : memref<512x32xf32, #tpu.memory_space<vmem>>, vector<16xf32>,
      %mul3A_313 = arith.mulf %get3A_309, %get3A_312 : vector<16xf32>
      %add3A_314 = arith.addf %mul3A_306, %mul3A_313 : vector<16xf32>
      %eq3A_315 = arith.constant 10 : i32
      %eq3A_316 = vector.broadcast %eq3A_315 : i32 to vector<16xi32>
      %eq3A_317 = arith.cmpi eq, %iota3A, %eq3A_316 : vector<16xi32>
      %reduce_sum3A_318 = arith.constant true
      %reduce_sum3A_319 = vector.broadcast %reduce_sum3A_318 : i1 to vector<16xi1>
      %reduce_sum3A_320 = tpu.scan <sum>, %add3A_314 masked %reduce_sum3A_319 : vector<16xf32>, vector<16xi1> -> vector<16xf32>
      %reduce_sum3A_321 = vector.extract %reduce_sum3A_320[15] : f32 from vector<16xf32>
      %broadcast_in_dim3A_322 = vector.broadcast %reduce_sum3A_321 : f32 to vector<16xf32>
      %select_n3A_323 = arith.select %eq3A_317, %broadcast_in_dim3A_322, %select_n3A_295 : vector<16xi1>, vector<16xf32>
      %mul3A_324 = arith.constant 16 : i32
      %mul3A_325 = arith.muli %scan3A_18, %mul3A_324 : i32
      %add3A_326 = arith.constant 11 : i32
      %add3A_327 = arith.addi %mul3A_325, %add3A_326 : i32
      %get3A_328 = arith.index_cast %add3A_327 : i32 to index
      %get3A_329 = arith.constant 0 : index
      %get3A_330 = tpu.vector_load %arg9[%get3A_328, %get3A_329] {strides = array<i32>} : memref<512x32xf32, #tpu.memory_space<vmem>>, vector<16xf32>,
      %get3A_331 = arith.index_cast %add3A_327 : i32 to index
      %get3A_332 = arith.constant 0 : index
      %get3A_333 = tpu.vector_load %arg10[%get3A_331, %get3A_332] {strides = array<i32>} : memref<512x32xf32, #tpu.memory_space<vmem>>, vector<16xf32>,
      %mul3A_334 = arith.mulf %get3A_330, %get3A_333 : vector<16xf32>
      %get3A_335 = arith.index_cast %add3A_327 : i32 to index
      %get3A_336 = arith.constant 16 : index
      %get3A_337 = tpu.vector_load %arg9[%get3A_335, %get3A_336] {strides = array<i32>} : memref<512x32xf32, #tpu.memory_space<vmem>>, vector<16xf32>,
      %get3A_338 = arith.index_cast %add3A_327 : i32 to index
      %get3A_339 = arith.constant 16 : index
      %get3A_340 = tpu.vector_load %arg10[%get3A_338, %get3A_339] {strides = array<i32>} : memref<512x32xf32, #tpu.memory_space<vmem>>, vector<16xf32>,
      %mul3A_341 = arith.mulf %get3A_337, %get3A_340 : vector<16xf32>
      %add3A_342 = arith.addf %mul3A_334, %mul3A_341 : vector<16xf32>
      %eq3A_343 = arith.constant 11 : i32
      %eq3A_344 = vector.broadcast %eq3A_343 : i32 to vector<16xi32>
      %eq3A_345 = arith.cmpi eq, %iota3A, %eq3A_344 : vector<16xi32>
      %reduce_sum3A_346 = arith.constant true
      %reduce_sum3A_347 = vector.broadcast %reduce_sum3A_346 : i1 to vector<16xi1>
      %reduce_sum3A_348 = tpu.scan <sum>, %add3A_342 masked %reduce_sum3A_347 : vector<16xf32>, vector<16xi1> -> vector<16xf32>
      %reduce_sum3A_349 = vector.extract %reduce_sum3A_348[15] : f32 from vector<16xf32>
      %broadcast_in_dim3A_350 = vector.broadcast %reduce_sum3A_349 : f32 to vector<16xf32>
      %select_n3A_351 = arith.select %eq3A_345, %broadcast_in_dim3A_350, %select_n3A_323 : vector<16xi1>, vector<16xf32>
      %mul3A_352 = arith.constant 16 : i32
      %mul3A_353 = arith.muli %scan3A_18, %mul3A_352 : i32
      %add3A_354 = arith.constant 12 : i32
      %add3A_355 = arith.addi %mul3A_353, %add3A_354 : i32
      %get3A_356 = arith.index_cast %add3A_355 : i32 to index
      %get3A_357 = arith.constant 0 : index
      %get3A_358 = tpu.vector_load %arg9[%get3A_356, %get3A_357] {strides = array<i32>} : memref<512x32xf32, #tpu.memory_space<vmem>>, vector<16xf32>,
      %get3A_359 = arith.index_cast %add3A_355 : i32 to index
      %get3A_360 = arith.constant 0 : index
      %get3A_361 = tpu.vector_load %arg10[%get3A_359, %get3A_360] {strides = array<i32>} : memref<512x32xf32, #tpu.memory_space<vmem>>, vector<16xf32>,
      %mul3A_362 = arith.mulf %get3A_358, %get3A_361 : vector<16xf32>
      %get3A_363 = arith.index_cast %add3A_355 : i32 to index
      %get3A_364 = arith.constant 16 : index
      %get3A_365 = tpu.vector_load %arg9[%get3A_363, %get3A_364] {strides = array<i32>} : memref<512x32xf32, #tpu.memory_space<vmem>>, vector<16xf32>,
      %get3A_366 = arith.index_cast %add3A_355 : i32 to index
      %get3A_367 = arith.constant 16 : index
      %get3A_368 = tpu.vector_load %arg10[%get3A_366, %get3A_367] {strides = array<i32>} : memref<512x32xf32, #tpu.memory_space<vmem>>, vector<16xf32>,
      %mul3A_369 = arith.mulf %get3A_365, %get3A_368 : vector<16xf32>
      %add3A_370 = arith.addf %mul3A_362, %mul3A_369 : vector<16xf32>
      %eq3A_371 = arith.constant 12 : i32
      %eq3A_372 = vector.broadcast %eq3A_371 : i32 to vector<16xi32>
      %eq3A_373 = arith.cmpi eq, %iota3A, %eq3A_372 : vector<16xi32>
      %reduce_sum3A_374 = arith.constant true
      %reduce_sum3A_375 = vector.broadcast %reduce_sum3A_374 : i1 to vector<16xi1>
      %reduce_sum3A_376 = tpu.scan <sum>, %add3A_370 masked %reduce_sum3A_375 : vector<16xf32>, vector<16xi1> -> vector<16xf32>
      %reduce_sum3A_377 = vector.extract %reduce_sum3A_376[15] : f32 from vector<16xf32>
      %broadcast_in_dim3A_378 = vector.broadcast %reduce_sum3A_377 : f32 to vector<16xf32>
      %select_n3A_379 = arith.select %eq3A_373, %broadcast_in_dim3A_378, %select_n3A_351 : vector<16xi1>, vector<16xf32>
      %mul3A_380 = arith.constant 16 : i32
      %mul3A_381 = arith.muli %scan3A_18, %mul3A_380 : i32
      %add3A_382 = arith.constant 13 : i32
      %add3A_383 = arith.addi %mul3A_381, %add3A_382 : i32
      %get3A_384 = arith.index_cast %add3A_383 : i32 to index
      %get3A_385 = arith.constant 0 : index
      %get3A_386 = tpu.vector_load %arg9[%get3A_384, %get3A_385] {strides = array<i32>} : memref<512x32xf32, #tpu.memory_space<vmem>>, vector<16xf32>,
      %get3A_387 = arith.index_cast %add3A_383 : i32 to index
      %get3A_388 = arith.constant 0 : index
      %get3A_389 = tpu.vector_load %arg10[%get3A_387, %get3A_388] {strides = array<i32>} : memref<512x32xf32, #tpu.memory_space<vmem>>, vector<16xf32>,
      %mul3A_390 = arith.mulf %get3A_386, %get3A_389 : vector<16xf32>
      %get3A_391 = arith.index_cast %add3A_383 : i32 to index
      %get3A_392 = arith.constant 16 : index
      %get3A_393 = tpu.vector_load %arg9[%get3A_391, %get3A_392] {strides = array<i32>} : memref<512x32xf32, #tpu.memory_space<vmem>>, vector<16xf32>,
      %get3A_394 = arith.index_cast %add3A_383 : i32 to index
      %get3A_395 = arith.constant 16 : index
      %get3A_396 = tpu.vector_load %arg10[%get3A_394, %get3A_395] {strides = array<i32>} : memref<512x32xf32, #tpu.memory_space<vmem>>, vector<16xf32>,
      %mul3A_397 = arith.mulf %get3A_393, %get3A_396 : vector<16xf32>
      %add3A_398 = arith.addf %mul3A_390, %mul3A_397 : vector<16xf32>
      %eq3A_399 = arith.constant 13 : i32
      %eq3A_400 = vector.broadcast %eq3A_399 : i32 to vector<16xi32>
      %eq3A_401 = arith.cmpi eq, %iota3A, %eq3A_400 : vector<16xi32>
      %reduce_sum3A_402 = arith.constant true
      %reduce_sum3A_403 = vector.broadcast %reduce_sum3A_402 : i1 to vector<16xi1>
      %reduce_sum3A_404 = tpu.scan <sum>, %add3A_398 masked %reduce_sum3A_403 : vector<16xf32>, vector<16xi1> -> vector<16xf32>
      %reduce_sum3A_405 = vector.extract %reduce_sum3A_404[15] : f32 from vector<16xf32>
      %broadcast_in_dim3A_406 = vector.broadcast %reduce_sum3A_405 : f32 to vector<16xf32>
      %select_n3A_407 = arith.select %eq3A_401, %broadcast_in_dim3A_406, %select_n3A_379 : vector<16xi1>, vector<16xf32>
      %mul3A_408 = arith.constant 16 : i32
      %mul3A_409 = arith.muli %scan3A_18, %mul3A_408 : i32
      %add3A_410 = arith.constant 14 : i32
      %add3A_411 = arith.addi %mul3A_409, %add3A_410 : i32
      %get3A_412 = arith.index_cast %add3A_411 : i32 to index
      %get3A_413 = arith.constant 0 : index
      %get3A_414 = tpu.vector_load %arg9[%get3A_412, %get3A_413] {strides = array<i32>} : memref<512x32xf32, #tpu.memory_space<vmem>>, vector<16xf32>,
      %get3A_415 = arith.index_cast %add3A_411 : i32 to index
      %get3A_416 = arith.constant 0 : index
      %get3A_417 = tpu.vector_load %arg10[%get3A_415, %get3A_416] {strides = array<i32>} : memref<512x32xf32, #tpu.memory_space<vmem>>, vector<16xf32>,
      %mul3A_418 = arith.mulf %get3A_414, %get3A_417 : vector<16xf32>
      %get3A_419 = arith.index_cast %add3A_411 : i32 to index
      %get3A_420 = arith.constant 16 : index
      %get3A_421 = tpu.vector_load %arg9[%get3A_419, %get3A_420] {strides = array<i32>} : memref<512x32xf32, #tpu.memory_space<vmem>>, vector<16xf32>,
      %get3A_422 = arith.index_cast %add3A_411 : i32 to index
      %get3A_423 = arith.constant 16 : index
      %get3A_424 = tpu.vector_load %arg10[%get3A_422, %get3A_423] {strides = array<i32>} : memref<512x32xf32, #tpu.memory_space<vmem>>, vector<16xf32>,
      %mul3A_425 = arith.mulf %get3A_421, %get3A_424 : vector<16xf32>
      %add3A_426 = arith.addf %mul3A_418, %mul3A_425 : vector<16xf32>
      %eq3A_427 = arith.constant 14 : i32
      %eq3A_428 = vector.broadcast %eq3A_427 : i32 to vector<16xi32>
      %eq3A_429 = arith.cmpi eq, %iota3A, %eq3A_428 : vector<16xi32>
      %reduce_sum3A_430 = arith.constant true
      %reduce_sum3A_431 = vector.broadcast %reduce_sum3A_430 : i1 to vector<16xi1>
      %reduce_sum3A_432 = tpu.scan <sum>, %add3A_426 masked %reduce_sum3A_431 : vector<16xf32>, vector<16xi1> -> vector<16xf32>
      %reduce_sum3A_433 = vector.extract %reduce_sum3A_432[15] : f32 from vector<16xf32>
      %broadcast_in_dim3A_434 = vector.broadcast %reduce_sum3A_433 : f32 to vector<16xf32>
      %select_n3A_435 = arith.select %eq3A_429, %broadcast_in_dim3A_434, %select_n3A_407 : vector<16xi1>, vector<16xf32>
      %mul3A_436 = arith.constant 16 : i32
      %mul3A_437 = arith.muli %scan3A_18, %mul3A_436 : i32
      %add3A_438 = arith.constant 15 : i32
      %add3A_439 = arith.addi %mul3A_437, %add3A_438 : i32
      %get3A_440 = arith.index_cast %add3A_439 : i32 to index
      %get3A_441 = arith.constant 0 : index
      %get3A_442 = tpu.vector_load %arg9[%get3A_440, %get3A_441] {strides = array<i32>} : memref<512x32xf32, #tpu.memory_space<vmem>>, vector<16xf32>,
      %get3A_443 = arith.index_cast %add3A_439 : i32 to index
      %get3A_444 = arith.constant 0 : index
      %get3A_445 = tpu.vector_load %arg10[%get3A_443, %get3A_444] {strides = array<i32>} : memref<512x32xf32, #tpu.memory_space<vmem>>, vector<16xf32>,
      %mul3A_446 = arith.mulf %get3A_442, %get3A_445 : vector<16xf32>
      %get3A_447 = arith.index_cast %add3A_439 : i32 to index
      %get3A_448 = arith.constant 16 : index
      %get3A_449 = tpu.vector_load %arg9[%get3A_447, %get3A_448] {strides = array<i32>} : memref<512x32xf32, #tpu.memory_space<vmem>>, vector<16xf32>,
      %get3A_450 = arith.index_cast %add3A_439 : i32 to index
      %get3A_451 = arith.constant 16 : index
      %get3A_452 = tpu.vector_load %arg10[%get3A_450, %get3A_451] {strides = array<i32>} : memref<512x32xf32, #tpu.memory_space<vmem>>, vector<16xf32>,
      %mul3A_453 = arith.mulf %get3A_449, %get3A_452 : vector<16xf32>
      %add3A_454 = arith.addf %mul3A_446, %mul3A_453 : vector<16xf32>
      %eq3A_455 = arith.constant 15 : i32
      %eq3A_456 = vector.broadcast %eq3A_455 : i32 to vector<16xi32>
      %eq3A_457 = arith.cmpi eq, %iota3A, %eq3A_456 : vector<16xi32>
      %reduce_sum3A_458 = arith.constant true
      %reduce_sum3A_459 = vector.broadcast %reduce_sum3A_458 : i1 to vector<16xi1>
      %reduce_sum3A_460 = tpu.scan <sum>, %add3A_454 masked %reduce_sum3A_459 : vector<16xf32>, vector<16xi1> -> vector<16xf32>
      %reduce_sum3A_461 = vector.extract %reduce_sum3A_460[15] : f32 from vector<16xf32>
      %broadcast_in_dim3A_462 = vector.broadcast %reduce_sum3A_461 : f32 to vector<16xf32>
      %select_n3A_463 = arith.select %eq3A_457, %broadcast_in_dim3A_462, %select_n3A_435 : vector<16xi1>, vector<16xf32>
      %mul3A_464 = arith.constant 16 : i32
      %mul3A_465 = arith.muli %scan3A_18, %mul3A_464 : i32
      %swap3A = arith.index_cast %mul3A_465 : i32 to index
      %swap3A_466 = tpu.vector_load %arg11[%swap3A] {strides = array<i32>} : memref<512xf32, #tpu.memory_space<vmem>>, vector<16xf32>,
      tpu.vector_store %arg11[%swap3A], %select_n3A_463 {strides = array<i32>} : memref<512xf32, #tpu.memory_space<vmem>>, vector<16xf32>,
    }
    %scan3A_17 = arith.constant 32 : i32
    "tpu.region"() ({
      %run_scoped3A = tpu.sem_alloc : memref<!tpu.dma_semaphore, #tpu.memory_space<semaphore_mem>>
      %dma_start3A_18 = tpu.memref_slice %arg6[%mul3A_2] : memref<16384xf32, #tpu.memory_space<hbm>> -> memref<512xf32, #tpu.memory_space<hbm>>
      %dma_start3A_19 = tpu.memref_slice %arg6[%mul3A_2] : memref<16384xf32, #tpu.memory_space<hbm>> -> memref<512xf32, #tpu.memory_space<hbm>>
      tpu.enqueue_dma source(%arg11 : memref<512xf32, #tpu.memory_space<vmem>>) target(%dma_start3A_19 : memref<512xf32, #tpu.memory_space<hbm>>) target_semaphore(%run_scoped3A : memref<!tpu.dma_semaphore, #tpu.memory_space<semaphore_mem>>)
      %dma_wait3A_20 = tpu.memref_slice %arg6[%mul3A_2] : memref<16384xf32, #tpu.memory_space<hbm>> -> memref<512xf32, #tpu.memory_space<hbm>>
      %dma_wait3A_21 = tpu.memref_slice %arg6[%mul3A_2] : memref<16384xf32, #tpu.memory_space<hbm>> -> memref<512xf32, #tpu.memory_space<hbm>>
      tpu.wait_dma2 semaphore(%run_scoped3A : memref<!tpu.dma_semaphore, #tpu.memory_space<semaphore_mem>>) src(%arg11 : memref<512xf32, #tpu.memory_space<vmem>>) dst(%dma_wait3A_21 : memref<512xf32, #tpu.memory_space<hbm>>)
      tpu.yield
    }) : () -> ()
    return
  }
}

</mosaic_0001>

<sc_bundles>
// kernel: kernel.3.cloned.1.call-start
scs
__scs_entry_jumppad:
0x0: {  	(pc) =	sbr.rel $0x88, $3  }
0x1: {  	(tag) =	ssettag $0x0;
	lr =	simm.s32 $0x1  }
0x2: {  	[smem:$0x3F9D] =	sst lr;
	_ =	strace $0xD0000000  }
0x3: {  	_ = 	snop  }
0x4: {  	_ = 	snop  }
0x5: {  	_ = 	snop  }
0x6: {  	_ = 	snop  }
0x7: {  	_ = 	snop  }
__scs_overlays_trampoline_lowered:
0x8: {  	[smem:$0x3FAC] =	sst s0  }
0x9: {  	[smem:$0x3FAD] =	sst s1  }
0xa: {  	[smem:$0x3FAE] =	sst s2  }
0xb: {  	[smem:$0x3FAF] =	sst s3  }
0xc: {  	[smem:$0x3FB0] =	sst s4  }
0xd: {  	[smem:$0x3FB1] =	sst s5  }
0xe: {  	[smem:$0x3FB2] =	sst s6  }
0xf: {  	[smem:$0x3FB3] =	sst s7  }
0x10: {  	[smem:$0x3FB4] =	sst s8  }
0x11: {  	[smem:$0x3FB5] =	sst s9;
	s0 =	simm.s32 @!p0 $0x0  }
0x12: {  	s1 =	sld [smem:$0x3F9B];
	s0 =	simm.s32 @p0 $0x1  }
0x13: {  	[smem:$0x3FB6] =	sst s0;
	s0 =	simm.s32 @!p1 $0x0  }
0x14: {  	s2 =	sld [smem:$0x3F9A];
	s0 =	simm.s32 @p1 $0x1  }
0x15: {  	[smem:$0x3FB7] =	sst s0;
	s0 =	simm.s32 @!p2 $0x0  }
0x16: {  	s3 =	sld [smem:$0x3FDB];
	s0 =	simm.s32 @p2 $0x1  }
0x17: {  	s4 =	simm.s32 $0x1BF5;
	[smem:$0x3FB9] =	sst s0  }
0x18: {  	s0 =	sld [smem:$0x3F9C];
	_ =	swait.ge [sflag:s4], $0x0  }
0x19: {  	s7 =	sld [smem:$0x3F9D]  }
0x1a: {  	s8 =	sadd.s32 $0xFFFFE003, lr  }
0x1b: {  	s9 =	sadd.s32 $0xFFFFFEF7, lr;
	s5 =	simm.s32 $0xFFFFFFFF;
	p2 =	slt.u32 s8, $0xFFFFF086  }
0x1c: {  	p1 =	slt.u32 s9, $0xF7A;
	s5 =	simm.s32 @!p2 $0x0  }
0x1d: {  	s5 =	simm.s32 @p1 $0x1;
	p0 =	seq.s32 s7, s2  }
0x1e: {  	s7 =	smul.u32 @!p0 $0xF7A, s2;
	p2 =	seq.s32 @!p0 s5, $0x0  }
0x1f: {  	s9 =	smul.u32 $0xF7A, s1;
	s8 =	simm.s32 @!p0 $0x1BF5;
	p2 =	por !p2, p0  }
0x20: {  	[sflag:s8] =	ssyncset.s32 @!p0 $0xFFFFF086;
	s6 =	sadd.s32 @!p0 s3, s7;
	s7 =	simm.s32 @!p0 $0x108  }
0x21: {  	s3 =	sadd.s32 s3, s9;
	s6 =	sadd.s32 @!p0 $0x88, s6;
	s7 =	simm.s32 @p2 $0x1082  }
0x22: {  	[simem:s7], [sflag:s8] =	dma.local @!p0 [hbm:s6], $0xF7A  }
0x23: {  	s9 =	sor.u32 $0xD0000000, s2;
	s6 =	simm.s32 $0x108;
	_ =	swait.ge @!p0 [sflag:s8], $0x0  }
0x24: {  	s3 =	sadd.s32 $0x88, s3;
	s6 =	simm.s32 @!p1 $0x1082;
	[sflag:s4] =	ssyncset.s32 $0xFFFFF086  }
0x25: {  	[simem:s6], [sflag:s4] =	dma.local [hbm:s3], $0xF7A  }
0x26: {  	[smem:$0x3F9D] =	sst s1;
	(tag) =	ssettag s2;
	_ =	strace s9  }
0x27: {  	s1 =	sld [smem:$0x3FAD]  }
0x28: {  	s2 =	sld [smem:$0x3FAE]  }
0x29: {  	s4 =	sld [smem:$0x3FB0]  }
0x2a: {  	p0 =	seq.s32 s5, $0x0;
	s5 =	sld [smem:$0x3FB1]  }
0x2b: {  	s6 =	sld [smem:$0x3FB2]  }
0x2c: {  	s7 =	sld [smem:$0x3FB3]  }
0x2d: {  	s3 =	simm.s32 $0x108;
	s8 =	sld [smem:$0x3FB4]  }
0x2e: {  	s3 =	simm.s32 @!p0 $0x1082;
	s9 =	sld [smem:$0x3FB5]  }
0x2f: {  	lr =	sadd.s32 s0, s3;
	s0 =	sld [smem:$0x3FAC]  }
0x30: {  	s3 =	sld [smem:$0x3FAF]  }
0x31: {  	[smem:$0x3FB8] =	sst s10  }
0x32: {  	s10 =	sld [smem:$0x3FB6];
	_ =	sdelay $0x3  }
0x33: {  	p0 =	seq.s32 s10, $0x1;
	s10 =	sld [smem:$0x3FB8];
	_ =	sdelay $0x3  }
0x34: {  	[smem:$0x3FB8] =	sst s10  }
0x35: {  	s10 =	sld [smem:$0x3FB7];
	_ =	sdelay $0x3  }
0x36: {  	p1 =	seq.s32 s10, $0x1;
	s10 =	sld [smem:$0x3FB8];
	_ =	sdelay $0x3  }
0x37: {  	[smem:$0x3FB8] =	sst s10  }
0x38: {  	s10 =	sld [smem:$0x3FB9]  }
0x39: {  	_ = 	snop;
	(pc) =	sbr.ind lr, $3  }
0x3a: {  	_ = 	snop  }
0x3b: {  	_ = 	snop  }
0x3c: {  	p2 =	seq.s32 s10, $0x1;
	s10 =	sld [smem:$0x3FB8]  }
0x3d: {  	_ =	shalt  }
0x3e: {  	_ =	shalt  }
0x3f: {  	_ =	shalt  }
0x40: {  	_ =	shalt  }
0x41: {  	_ =	shalt  }
0x42: {  	_ =	shalt  }
0x43: {  	_ =	shalt  }
0x44: {  	_ =	shalt  }
0x45: {  	_ =	shalt  }
0x46: {  	_ =	shalt  }
0x47: {  	_ =	shalt  }
0x48: {  	_ =	shalt  }
0x49: {  	_ =	shalt  }
0x4a: {  	_ =	shalt  }
0x4b: {  	_ =	shalt  }
0x4c: {  	_ =	shalt  }
0x4d: {  	_ =	shalt  }
0x4e: {  	_ =	shalt  }
0x4f: {  	_ =	shalt  }
0x50: {  	_ =	shalt  }
0x51: {  	_ =	shalt  }
0x52: {  	_ =	shalt  }
0x53: {  	_ =	shalt  }
0x54: {  	_ =	shalt  }
0x55: {  	_ =	shalt  }
0x56: {  	_ =	shalt  }
0x57: {  	_ =	shalt  }
0x58: {  	_ =	shalt  }
0x59: {  	_ =	shalt  }
0x5a: {  	_ =	shalt  }
0x5b: {  	_ =	shalt  }
0x5c: {  	_ =	shalt  }
0x5d: {  	_ =	shalt  }
0x5e: {  	_ =	shalt  }
0x5f: {  	_ =	shalt  }
0x60: {  	_ =	shalt  }
0x61: {  	_ =	shalt  }
0x62: {  	_ =	shalt  }
0x63: {  	_ =	shalt  }
0x64: {  	_ =	shalt  }
0x65: {  	_ =	shalt  }
0x66: {  	_ =	shalt  }
0x67: {  	_ =	shalt  }
0x68: {  	_ =	shalt  }
0x69: {  	_ =	shalt  }
0x6a: {  	_ =	shalt  }
0x6b: {  	_ =	shalt  }
0x6c: {  	_ =	shalt  }
0x6d: {  	_ =	shalt  }
0x6e: {  	_ =	shalt  }
0x6f: {  	_ =	shalt  }
0x70: {  	_ =	shalt  }
0x71: {  	_ =	shalt  }
0x72: {  	_ =	shalt  }
0x73: {  	_ =	shalt  }
0x74: {  	_ =	shalt  }
0x75: {  	_ =	shalt  }
0x76: {  	_ =	shalt  }
0x77: {  	_ =	shalt  }
0x78: {  	_ =	shalt  }
0x79: {  	_ =	shalt  }
0x7a: {  	_ =	shalt  }
0x7b: {  	_ =	shalt  }
0x7c: {  	_ =	shalt  }
0x7d: {  	_ =	shalt  }
0x7e: {  	_ =	shalt  }
0x7f: {  	_ =	shalt  }
0x80: {  	_ =	shalt  }
0x81: {  	_ =	shalt  }
0x82: {  	_ =	shalt  }
0x83: {  	_ =	shalt  }
0x84: {  	_ =	shalt  }
0x85: {  	_ =	shalt  }
0x86: {  	_ =	shalt  }
0x87: {  	_ =	shalt  }
.Lfunc_end0:
.L_simem_size_0:
called_computation_lowered:
.L_overlay_start_0:
0x88: {  	s2 =	sld [smem:$0x3FD9]  }
0x89: {  	s3 =	sld [smem:$0x3FFE];
	_ =	sdelay $0x1  }
0x8a: {  	s1 =	srdreg.scid  }
0x8b: {  	s0 =	sand.u32 $0x1, s1  }
0x8c: {  	s17 =	sshll.u32 s0, $0xA;
	s2 =	sadd.s32 s3, s2  }
0x8d: {  	s2 =	sadd.s32 s2, s17  }
0x8e: {  	[smem:$0x3FC4] =	sst s2  }
0x8f: {  	_ = 	snop  }
0x90: {  	s2 =	sld [smem:$0x3FC9]  }
0x91: {  	s18 =	sld [smem:$0x3FC8]  }
0x92: {  	s4 =	sld [smem:$0x3FD0];
	(tm) =	ssettm $0x1  }
0x93: {  	s5 =	sld [smem:$0x3FFB];
	_ =	sdelay $0x3  }
0x94: {  	_ =	strace s5  }
0x95: {  	s5 =	sld [smem:$0x3FFC];
	_ =	sdelay $0x3  }
0x96: {  	_ =	strace s5  }
0x97: {  	s5 =	sld [smem:$0x3FFD];
	_ =	sdelay $0x3  }
0x98: {  	_ =	strace s5  }
0x99: {  	_ =	strace $0x8FFFFFFF  }
0x9a: {  	s19 =	sld [smem:$0x3FDB];
	_ =	sdelay $0x1  }
0x9b: {  	s6 =	simm.s32 $_scs_section_size  }
0x9c: {  	s7 =	simm.s32 $_size__tile_overlayer_lowered;
	s8 =	simm.s32 $_tile_overlayer_lowered  }
0x9d: {  	s22 =	simm.s32 $0x1BFF;
	s21 =	sshll.u32 s8, $0x1;
	s5 =	sadd.s32 s6, s19  }
0x9e: {  	s9 =	simm.s32 $0x0;
	s20 =	sshll.u32 s7, $0x1;
	s7 =	sadd.s32 s21, s5  }
0x9f: {  	[timem:s9], [sflag:s22] =	dma.local [hbm:s7], s20  }
0xa0: {  	_ =	swait.ge [sflag:s22], s20  }
0xa1: {  	s6 =	ssub.s32 $0x0, s20;
	[sflag:s22] =	ssyncset.done $0x0  }
0xa2: {  	[sflag:s22] =	ssyncadd.s32 s6;
	_ =	sdelay $0x1  }
0xa3: {  	s23 =	simm.s32 $0x1B8B  }
0xa4: {  	_ =	swait.ge [sflag:s23], $0x1  }
0xa5: {  	[sflag:s23] =	ssyncset.done $0x0  }
0xa6: {  	s25 =	simm.s32 $0x1B8E;
	s24 =	sld [smem:$0x3FFE];
	[sflag:s23] =	ssyncadd.s32 $0xFFFFFFFF  }
0xa7: {  	s26 =	simm.s32 $execute0_lowered;
	[smem:$0x3FD2] =	sst s25  }
0xa8: {  	s7 =	sshll.u32 s26, $0x1;
	_ =	strace $0x80000046;
	[dreg:$0x1] =	wrdreg $0xFFFFFFFF  }
0xa9: {  	s28 =	simm.s32 $_size_execute0_lowered;
	s5 =	sadd.s32 s5, s7;
	[dreg:$0x0] =	wrdreg $0x0  }
0xaa: {  	s7 =	sshll.u32 s28, $0x1;
	[dreg:$0x2] =	wrdreg s5  }
0xab: {  	[dreg:$0x3] =	wrdreg s7  }
0xac: {  	[dreg:$0x4] =	wrdreg $0xC0  }
0xad: {  	_ =	task [dreg:s9], $0x5FFFF  }
0xae: {  	[dreg:$0x1] =	wrdreg $0xFFFFFFFF  }
0xaf: {  	[dreg:$0x0] =	wrdreg $0x60  }
0xb0: {  	[dreg:$0x2] =	wrdreg s2  }
0xb1: {  	[dreg:$0x3] =	wrdreg s18  }
0xb2: {  	[dreg:$0x4] =	wrdreg s24  }
0xb3: {  	[dreg:$0x5] =	wrdreg s4  }
0xb4: {  	[dreg:$0x6] =	wrdreg $0x9  }
0xb5: {  	_ =	task.clear_ibuf [dreg:s9], $0x7FFFF;
	_ =	strace $0x90000046  }
0xb6: {  	s29 =	simm.s32 $0x9;
	_ =	strace $0x80000048  }
0xb7: {  	_ =	swait.ge [sflag:s29], $0x1  }
0xb8: {  	[sflag:s29] =	ssyncadd.s32 $0xFFFFFFFF  }
0xb9: {  	_ =	strace $0x90000048  }
0xba: {  	_ =	sfence  }
0xbb: {  	s30 =	sld [smem:$0x0];
	_ =	sdelay $0x2  }
0xbc: {  	s31 =	sshll.u32 s1, $0xD;
	s1 =	sshrl.u32 s1, $0x2  }
0xbd: {  	s3 =	sand.u32 $0x4000, s31;
	s1 =	sadd.s32 s1, s30  }
0xbe: {  	s0 =	sor.u32 s3, s0;
	s1 =	sshll.u32 s1, $0x11  }
0xbf: {  	s0 =	sor.u32 s1, s0  }
0xc0: {  	s0 =	sadd.s32 $0x8F2B, s0  }
0xc1: {  	[sflag:s0] =	ssyncadd.remote.s32 $0x1  }
0xc2: {  	_ =	sfence.sel $0xFFFF  }
0xc3: {  	[dreg:$0x0] =	wrdreg $0xFFFFFFFF;
	(pc) =	sbr.abs _section_cstart, $3  }
0xc4: {  	[dreg:$0x1] =	wrdreg $0xFFFFFFFF  }
0xc5: {  	_ =	task.clear_ibuf [dreg:s9], $0x2FFFF;
	_ =	strace $0x9FFFFFFF  }
0xc6: {  	(tm) =	ssettm $0x7FFFFFFF  }
0xc7: {  	_ =	shalt  }
tec
execute0_lowered:
.L_overlay_start_1:
0x0: {  	(tag) =	ssettag $0x1  }
0x1: {  	s5 =	rddreg [dreg:$0x0]  }
0x2: {  	s6 =	rddreg [dreg:$0x1]  }
0x3: {  	s4 =	rddreg [dreg:$0x2]  }
0x4: {  	s7 =	rddreg [dreg:$0x3]  }
0x5: {  	s0 =	rddreg [dreg:$0x4];
	s1 =	simm.s32 $0x0  }
0x6: {  	s8 =	srdreg.scid;
	s2 =	stileid.u32;
	s12 =	simm.s32 $0x4400  }
0x7: {  	s13 =	simm.s32 $0x1;
	s14 =	simm.s32 $0x8400;
	s15 =	simm.s32 $0x0  }
0x8: {  	[smem:$0x7FF] =	sst s1;
	s3 =	sadd.s32 $0xF42800, s4;
	s8 =	sand.u32 $0x1, s8  }
0x9: {  	vm0 =	vmmov $0x1;
	vm1 =	vmmov $0x3;
	vm2 =	vmmov $0x7;
	s10 =	sshll.u32 s2, $0x7;
	s4 =	sadd.s32 $0x1313200, s4;
	s9 =	ssub.s32 $0x2, s8  }
0xa: {  	vm3 =	vmmov $0xf;
	vm4 =	vmmov $0x1f;
	vm5 =	vmmov $0x3f;
	_ =	strace $0x80000047;
	s8 =	sshll.u32 s8, $0x6;
	s11 =	sshrl.u32 s9, $0x1  }
0xb: {  	vm6 =	vmmov $0x7f;
	vm7 =	vmmov $0xff;
	vm8 =	vmmov $0x1ff;
	s8 =	sor.u32 s8, s10;
	s10 =	simm.s32 $0x200;
	s9 =	ssub.s32 s9, s11  }
0xc: {  	vm9 =	vmmov $0x3ff;
	vm10 =	vmmov $0x7ff;
	vm11 =	vmmov $0xfff;
	s5 =	sadd.s32 s5, s8;
	s6 =	sadd.s32 s6, s8;
	s7 =	sadd.s32 s7, s8  }
0xd: {  	vm12 =	vmmov $0x1fff;
	vm13 =	vmmov $0x3fff;
	vm14 =	vmmov $0x7fff;
	s11 =	simm.s32 $0x400;
	s8 =	smax.u32 s9, $0x1;
	s9 =	simm.s32 $0x2  }
.LBB2_1:
0xe: {  	[tilespmem:s1], [sflag:$0x2] =	stream.linear.gather [hbm4b:s5+s1], $0x200, $0x38;
	[tilespmem:$0x8600] =	vst v63  }
0xf: {  	_ =	swait.ge [sflag:s9], $0x200  }
0x10: {  	[sflag:s9] =	ssyncset.done $0x0  }
0x11: {  	[sflag:s9] =	ssyncadd.s32 $0xFFFFFE00  }
0x12: {  	[tilespmem:s10], [sflag:$0x2] =	stream.linear.gather [hbm4b:s6+s1], $0x200, $0x38;
	[tilespmem:$0x8600] =	vst v63  }
0x13: {  	_ =	swait.ge [sflag:s9], $0x200  }
0x14: {  	[sflag:s9] =	ssyncset.done $0x0  }
0x15: {  	[sflag:s9] =	ssyncadd.s32 $0xFFFFFE00  }
0x16: {  	[tilespmem:s11], [sflag:$0x1] =	stream.indirect.gather [hbm4b:s3+s10], $0x20, s1, s10, $0xb8;
	[tilespmem:$0x8600] =	vst v63  }
0x17: {  	_ = 	snop  }
0x18: {  	[tilespmem:s12], [sflag:$0x1] =	stream.indirect.gather [hbm4b:s4+s10], $0x20, s10, s10, $0xb8;
	[tilespmem:$0x8600] =	vst v63  }
0x19: {  	_ =	swait.ge [sflag:s13], $0x4000  }
0x1a: {  	[sflag:s13] =	ssyncset.done $0x0  }
0x1b: {  	[sflag:s13] =	ssyncadd.s32 $0xFFFFC000  }
0x1c: {  	_ =	swait.ge [sflag:s13], $0x4000  }
0x1d: {  	[sflag:s13] =	ssyncset.done $0x0  }
0x1e: {  	s16 =	simm.s32 $0x0;
	[sflag:s13] =	ssyncadd.s32 $0xFFFFC000  }
0x1f: {  	v0 =	vld [tilespmem:s16+$0x5C0]  }
0x20: {  	v1 =	vld [tilespmem:s16+$0x45C0]  }
0x21: {  	v2 =	vld [tilespmem:s16+$0x5D0]  }
0x22: {  	v3 =	vld [tilespmem:s16+$0x45D0]  }
0x23: {  	v4 =	vld [tilespmem:s16+$0x5A0]  }
0x24: {  	v5 =	vld [tilespmem:s16+$0x580]  }
0x25: {  	v6 =	vld [tilespmem:s16+$0x4580]  }
0x26: {  	v7 =	vld [tilespmem:s16+$0x590]  }
0x27: {  	v8 =	vld [tilespmem:s16+$0x4590]  }
0x28: {  	v9 =	vld [tilespmem:s16+$0x560]  }
0x29: {  	v10 =	vld [tilespmem:s16+$0x4560]  }
0x2a: {  	v11 =	vld [tilespmem:s16+$0x570]  }
0x2b: {  	v12 =	vld [tilespmem:s16+$0x4570]  }
0x2c: {  	v13 =	vld [tilespmem:s16+$0x540]  }
0x2d: {  	v14 =	vld [tilespmem:s16+$0x520]  }
0x2e: {  	v15 =	vld [tilespmem:s16+$0x4520]  }
0x2f: {  	v16 =	vld [tilespmem:s16+$0x530]  }
0x30: {  	v17 =	vld [tilespmem:s16+$0x4530]  }
0x31: {  	v18 =	vld [tilespmem:s16+$0x500]  }
0x32: {  	v19 =	vld [tilespmem:s16+$0x4500]  }
0x33: {  	v20 =	vld [tilespmem:s16+$0x510]  }
0x34: {  	v21 =	vld [tilespmem:s16+$0x4510]  }
0x35: {  	v22 =	vld [tilespmem:s16+$0x4E0]  }
0x36: {  	v23 =	vld [tilespmem:s16+$0x4C0]  }
0x37: {  	v24 =	vld [tilespmem:s16+$0x44C0]  }
0x38: {  	v25 =	vld [tilespmem:s16+$0x4D0]  }
0x39: {  	v26 =	vld [tilespmem:s16+$0x44D0]  }
0x3a: {  	v27 =	vld [tilespmem:s16+$0x4A0]  }
0x3b: {  	v28 =	vld [tilespmem:s16+$0x44A0]  }
0x3c: {  	v29 =	vld [tilespmem:s16+$0x4B0]  }
0x3d: {  	v30 =	vld [tilespmem:s16+$0x44B0]  }
0x3e: {  	v31 =	vld [tilespmem:s16+$0x480]  }
0x3f: {  	v32 =	vld [tilespmem:s16+$0x460]  }
0x40: {  	v33 =	vld [tilespmem:s16+$0x4460]  }
0x41: {  	v34 =	vld [tilespmem:s16+$0x470]  }
0x42: {  	v35 =	vld [tilespmem:s16+$0x4470]  }
0x43: {  	v36 =	vld [tilespmem:s16+$0x440]  }
0x44: {  	v37 =	vld [tilespmem:s16+$0x4440]  }
0x45: {  	v38 =	vld [tilespmem:s16+$0x450]  }
0x46: {  	v39 =	vld [tilespmem:s16+$0x4450]  }
0x47: {  	v40 =	vld [tilespmem:s16+$0x4400]  }
0x48: {  	v41 =	vld [tilespmem:s16+$0x400]  }
0x49: {  	v0 =	vmul.f32 v1, v0;
	v1 =	vmul.f32 v3, v2;
	v2 =	vld [tilespmem:s16+$0x410]  }
0x4a: {  	v3 =	vmul.f32 v6, v5;
	v5 =	vmul.f32 v8, v7;
	v6 =	vld [tilespmem:s16+$0x4410]  }
0x4b: {  	v7 =	vmul.f32 v12, v11;
	v8 =	vld [tilespmem:s16+$0x420];
	v0 =	vadd.f32 v1, v0;
	v1 =	vmul.f32 v10, v9  }
0x4c: {  	v11 =	vld [tilespmem:s16+$0x430];
	v3 =	vadd.f32 v5, v3;
	v5 =	vmul.f32 v15, v14;
	v9 =	vmul.f32 v17, v16  }
0x4d: {  	v12 =	vld [tilespmem:s16+$0x4430];
	(xrf2) =	vadd.scan.msk.f32 $0xffff, v0;
	v0 =	vadd.f32 v7, v1;
	v1 =	vmul.f32 v19, v18;
	v7 =	vmul.f32 v21, v20  }
0x4e: {  	v10 =	vld [tilespmem:s16+$0x4420];
	(xrf2) =	vadd.scan.msk.f32 $0xffff, v3;
	v3 =	vadd.f32 v9, v5;
	v5 =	vmul.f32 v24, v23;
	v9 =	vmul.f32 v26, v25  }
0x4f: {  	v14 =	vld [tilespmem:s16+$0x4480];
	(xrf2) =	vadd.scan.msk.f32 $0xffff, v0;
	v0 =	vadd.f32 v7, v1;
	v1 =	vmul.f32 v28, v27;
	v7 =	vmul.f32 v30, v29  }
0x50: {  	v15 =	vld [tilespmem:s16+$0x490];
	(xrf2) =	vadd.scan.msk.f32 $0xffff, v3;
	v3 =	vadd.f32 v9, v5;
	v5 =	vmul.f32 v33, v32;
	v9 =	vmul.f32 v35, v34  }
0x51: {  	v16 =	vld [tilespmem:s16+$0x4490];
	(xrf2) =	vadd.scan.msk.f32 $0xffff, v0;
	v0 =	vadd.f32 v7, v1;
	v1 =	vmul.f32 v37, v36;
	v7 =	vmul.f32 v39, v38  }
0x52: {  	v2 =	vmul.f32 v6, v2;
	v6 =	vld [tilespmem:s16+$0x44E0];
	(xrf2) =	vadd.scan.msk.f32 $0xffff, v3;
	v3 =	vadd.f32 v9, v5  }
0x53: {  	v5 =	vmul.f32 v40, v41;
	(xrf2) =	vadd.scan.msk.f32 $0xffff, v0;
	v0 =	vadd.f32 v7, v1;
	v1 =	vmul.f32 v10, v8;
	v8 =	vld [tilespmem:s16+$0x4F0]  }
0x54: {  	v7 =	vmul.f32 v12, v11;
	v10 =	vld [tilespmem:s16+$0x4550]  }
0x55: {  	(xrf2) =	vadd.scan.msk.f32 $0xffff, v3;
	v2 =	vadd.f32 v2, v5;
	v3 =	vld [tilespmem:s16+$0x44F0]  }
0x56: {  	(xrf2) =	vadd.scan.msk.f32 $0xffff, v0;
	v0 =	vadd.f32 v7, v1;
	v1 =	vld [tilespmem:s16+$0x4540]  }
0x57: {  	v5 =	vmul.f32 v16, v15;
	v7 =	vld [tilespmem:s16+$0x550];
	(xrf2) =	vadd.scan.msk.f32 $0xffff, v2;
	v2 =	vmul.f32 v14, v31  }
0x58: {  	v14 =	vld [tilespmem:s16+$0x45B0]  }
0x59: {  	v9, _, _ =	vpop (xrf2);
	(xrf2) =	vadd.scan.msk.f32 $0xffff, v0;
	v2 =	vadd.f32 v5, v2;
	v5 =	vld [tilespmem:s16+$0x45A0]  }
0x5a: {  	v6 =	vmul.f32 v6, v22;
	v0, _, _ =	vpop (xrf2);
	v3 =	vmul.f32 v3, v8;
	v8 =	vld [tilespmem:s16+$0x5B0]  }
0x5b: {  	v11, _, _ =	vpop (xrf2)  }
0x5c: {  	v12, _, _ =	vpop (xrf2);
	v3 =	vadd.f32 v3, v6  }
0x5d: {  	(xrf2) =	vadd.scan.msk.f32 $0xffff, v2;
	v2, _, _ =	vpop (xrf2)  }
0x5e: {  	v1 =	vmul.f32 v1, v13;
	v7 =	vmul.f32 v10, v7;
	v15, _, _ =	vpop (xrf2)  }
0x5f: {  	v4 =	vmul.f32 v5, v4;
	v13, _, _ =	vpop (xrf2);
	v5 =	vmul.f32 v14, v8  }
0x60: {  	v10 =	vld [tilespmem:s16+$0x45E0];
	(xrf2) =	vadd.scan.msk.f32 $0xffff, v3;
	v3, _, _ =	vpop (xrf2)  }
0x61: {  	v6 =	vld [tilespmem:s16+$0x5E0];
	v1 =	vadd.f32 v7, v1;
	v17, _, _ =	vpop (xrf2)  }
0x62: {  	v16 =	vld [tilespmem:s16+$0x5F0];
	v8, _, _ =	vpop (xrf2)  }
0x63: {  	v7 =	vld [tilespmem:s16+$0x45F0];
	(xrf2) =	vadd.scan.msk.f32 $0xffff, v1;
	v1 =	vadd.f32 v5, v4;
	v5, _, _ =	vpop (xrf2)  }
0x64: {  	v5 =	vbroadcast v5, $0xF;
	_ =	sdelay $0x1  }
0x65: {  	v4 =	vmul.f32 v10, v6;
	v6 =	vbroadcast v8, $0xF  }
0x66: {  	v8 =	vbroadcast v17, $0xF  }
0x67: {  	v3 =	vbroadcast v3, $0xF;
	v7 =	vmul.f32 v7, v16;
	(xrf2) =	vadd.scan.msk.f32 $0xffff, v1;
	v1 =	vsel vm0, v6, v5;
	v5, _, _ =	vpop (xrf2)  }
0x68: {  	v1 =	vsel vm1, v1, v8;
	v5 =	vbroadcast v5, $0xF  }
0x69: {  	v4 =	vadd.f32 v7, v4;
	v1 =	vsel vm2, v1, v3;
	v3 =	vbroadcast v13, $0xF  }
0x6a: {  	v6, _, _ =	vpop (xrf2);
	v1 =	vsel vm3, v1, v5;
	v5 =	vbroadcast v15, $0xF  }
0x6b: {  	v1 =	vsel vm4, v1, v3;
	v3 =	vbroadcast v6, $0xF  }
0x6c: {  	v2 =	vbroadcast v2, $0xF;
	(xrf2) =	vadd.scan.msk.f32 $0xffff, v4;
	v1 =	vsel vm5, v1, v5  }
0x6d: {  	v4, _, _ =	vpop (xrf2);
	v1 =	vsel vm6, v1, v3;
	v3 =	vbroadcast v12, $0xF  }
0x6e: {  	v1 =	vsel vm7, v1, v2;
	v2 =	vbroadcast v4, $0xF  }
0x6f: {  	v1 =	vsel vm8, v1, v3;
	v3 =	vbroadcast v11, $0xF  }
0x70: {  	v0 =	vbroadcast v0, $0xF;
	v1 =	vsel vm9, v1, v2  }
0x71: {  	v1 =	vsel vm10, v1, v3  }
0x72: {  	v2, _, _ =	vpop (xrf2);
	v0 =	vsel vm11, v1, v0;
	v1 =	vbroadcast v9, $0xF  }
0x73: {  	v2 =	vbroadcast v2, $0xF;
	_ =	sdelay $0x1  }
0x74: {  	v0 =	vsel vm12, v0, v2  }
0x75: {  	v0 =	vsel vm13, v0, v1;
	v1, _, _ =	vpop (xrf2)  }
0x76: {  	v0 =	vsel vm14, v0, v1  }
0x77: {  	s17 =	simm.s32 $0x200;
	[tilespmem:s14+$0x0] =	vst v0  }
0x78: {  	v2 =	vld [tilespmem:s17+$0x5C0]  }
0x79: {  	v3 =	vld [tilespmem:s17+$0x45C0]  }
0x7a: {  	v5 =	vld [tilespmem:s17+$0x5D0]  }
0x7b: {  	v6 =	vld [tilespmem:s17+$0x45D0]  }
0x7c: {  	v0 =	vld [tilespmem:s17+$0x5A0]  }
0x7d: {  	v7 =	vld [tilespmem:s17+$0x580]  }
0x7e: {  	v8 =	vld [tilespmem:s17+$0x4580]  }
0x7f: {  	v9 =	vld [tilespmem:s17+$0x590]  }
0x80: {  	v10 =	vld [tilespmem:s17+$0x4590]  }
0x81: {  	v11 =	vld [tilespmem:s17+$0x560]  }
0x82: {  	v12 =	vld [tilespmem:s17+$0x4560]  }
0x83: {  	v13 =	vld [tilespmem:s17+$0x570]  }
0x84: {  	v14 =	vld [tilespmem:s17+$0x4570]  }
0x85: {  	v1 =	vld [tilespmem:s17+$0x540]  }
0x86: {  	v15 =	vld [tilespmem:s17+$0x520]  }
0x87: {  	v16 =	vld [tilespmem:s17+$0x4520]  }
0x88: {  	v17 =	vld [tilespmem:s17+$0x530]  }
0x89: {  	v18 =	vld [tilespmem:s17+$0x4530]  }
0x8a: {  	v19 =	vld [tilespmem:s17+$0x500]  }
0x8b: {  	v54 =	vld [tilespmem:s17+$0x4500]  }
0x8c: {  	v55 =	vld [tilespmem:s17+$0x510]  }
0x8d: {  	v56 =	vld [tilespmem:s17+$0x4510]  }
0x8e: {  	v4 =	vld [tilespmem:s17+$0x4E0]  }
0x8f: {  	v57 =	vld [tilespmem:s17+$0x4C0]  }
0x90: {  	v58 =	vld [tilespmem:s17+$0x44C0]  }
0x91: {  	v59 =	vld [tilespmem:s17+$0x4D0]  }
0x92: {  	v60 =	vld [tilespmem:s17+$0x44D0];
	v2 =	vmul.f32 v3, v2;
	v3 =	vmul.f32 v6, v5  }
0x93: {  	v61 =	vld [tilespmem:s17+$0x4A0];
	v6 =	vmul.f32 v8, v7;
	v8 =	vmul.f32 v10, v9  }
0x94: {  	v62 =	vld [tilespmem:s17+$0x44A0];
	v2 =	vadd.f32 v3, v2  }
0x95: {  	v63 =	vld [tilespmem:s17+$0x4450];
	v9 =	vmul.f32 v14, v13;
	v3 =	vmul.f32 v12, v11;
	v6 =	vadd.f32 v8, v6  }
0x96: {  	v5 =	vld [tilespmem:s17+$0x4B0];
	v8 =	vmul.f32 v16, v15;
	v11 =	vmul.f32 v18, v17;
	(xrf2) =	vadd.scan.msk.f32 $0xffff, v2  }
0x97: {  	v10 =	vld [tilespmem:s17+$0x44B0];
	v2 =	vadd.f32 v9, v3;
	(xrf2) =	vadd.scan.msk.f32 $0xffff, v6  }
0x98: {  	v7 =	vld [tilespmem:s17+$0x480];
	v3 =	vadd.f32 v11, v8  }
0x99: {  	v13 =	vld [tilespmem:s17+$0x460];
	(xrf2) =	vadd.scan.msk.f32 $0xffff, v2  }
0x9a: {  	v14 =	vld [tilespmem:s17+$0x4460];
	v2 =	vmul.f32 v54, v19;
	(xrf2) =	vadd.scan.msk.f32 $0xffff, v3;
	v3 =	vmul.f32 v56, v55  }
0x9b: {  	v16 =	vld [tilespmem:s17+$0x440]  }
0x9c: {  	v11 =	vld [tilespmem:s17+$0x4470];
	v3 =	vadd.f32 v3, v2  }
0x9d: {  	v12 =	vmul.f32 v58, v57;
	v15 =	vmul.f32 v60, v59;
	v6 =	vld [tilespmem:s17+$0x470]  }
0x9e: {  	v17 =	vld [tilespmem:s17+$0x4440];
	(xrf2) =	vadd.scan.msk.f32 $0xffff, v3  }
0x9f: {  	v18 =	vld [tilespmem:s17+$0x450];
	v15 =	vadd.f32 v15, v12  }
0xa0: {  	v8 =	vld [tilespmem:s17+$0x4400];
	v5 =	vmul.f32 v10, v5;
	v19 =	vmul.f32 v62, v61;
	v2, _, _ =	vpop (xrf2)  }
0xa1: {  	v9 =	vld [tilespmem:s17+$0x400];
	v3, _, _ =	vpop (xrf2);
	(xrf2) =	vadd.scan.msk.f32 $0xffff, v15  }
0xa2: {  	v12 =	vld [tilespmem:s17+$0x4410];
	v19 =	vadd.f32 v5, v19;
	v6 =	vmul.f32 v11, v6  }
0xa3: {  	v10 =	vld [tilespmem:s17+$0x410];
	v14 =	vmul.f32 v14, v13  }
0xa4: {  	v13 =	vld [tilespmem:s17+$0x4420];
	(xrf2) =	vadd.scan.msk.f32 $0xffff, v19  }
0xa5: {  	v11 =	vld [tilespmem:s17+$0x420];
	v15 =	vadd.f32 v6, v14;
	v5, _, _ =	vpop (xrf2)  }
0xa6: {  	s18 =	simm.s32 $0x1000;
	s16 =	simm.s32 $0x8400;
	v16 =	vmul.f32 v17, v16;
	v17 =	vmul.f32 v63, v18;
	v14 =	vld [tilespmem:s17+$0x430];
	v6, _, _ =	vpop (xrf2)  }
.LBB2_2:
0xa7: {  	p0 =	sne.s32 s18, $0xF800;
	v18 =	vld [tilespmem:s17+$0x4430];
	(xrf2) =	vadd.scan.msk.f32 $0xffff, v15  }
0xa8: {  	v19 =	vadd.f32 v17, v16;
	v16 =	vld [tilespmem:s17+$0x4480];
	v17, _, _ =	vpop (xrf2)  }
0xa9: {  	v8 =	vmul.f32 v8, v9;
	v9 =	vmul.f32 v12, v10;
	v10 =	vld [tilespmem:s17+$0x490]  }
0xaa: {  	v12 =	vld [tilespmem:s17+$0x4490];
	(xrf2) =	vadd.scan.msk.f32 $0xffff, v19  }
0xab: {  	v8 =	vadd.f32 v9, v8;
	v9 =	vld [tilespmem:s17+$0x44E0];
	v15, _, _ =	vpop (xrf2)  }
0xac: {  	v11 =	vmul.f32 v13, v11;
	v19 =	vmul.f32 v18, v14;
	v14 =	vld [tilespmem:s17+$0x4F0]  }
0xad: {  	v18 =	vld [tilespmem:s17+$0x44F0];
	(xrf2) =	vadd.scan.msk.f32 $0xffff, v8  }
0xae: {  	v8 =	vadd.f32 v19, v11;
	v11 =	vld [tilespmem:s17+$0x4540];
	v13, _, _ =	vpop (xrf2)  }
0xaf: {  	v7 =	vmul.f32 v16, v7;
	v19 =	vmul.f32 v12, v10;
	v12 =	vld [tilespmem:s17+$0x550]  }
0xb0: {  	v16 =	vld [tilespmem:s17+$0x4550];
	(xrf2) =	vadd.scan.msk.f32 $0xffff, v8  }
0xb1: {  	v7 =	vadd.f32 v19, v7;
	v8 =	vld [tilespmem:s17+$0x45A0];
	v10, _, _ =	vpop (xrf2)  }
0xb2: {  	v4 =	vmul.f32 v9, v4;
	v19 =	vmul.f32 v18, v14;
	v14 =	vld [tilespmem:s17+$0x5B0]  }
0xb3: {  	v18 =	vld [tilespmem:s17+$0x45B0];
	(xrf2) =	vadd.scan.msk.f32 $0xffff, v7  }
0xb4: {  	v4 =	vadd.f32 v19, v4;
	v7 =	vld [tilespmem:s17+$0x5E0];
	v9, _, _ =	vpop (xrf2)  }
0xb5: {  	v1 =	vmul.f32 v11, v1;
	v19 =	vmul.f32 v16, v12;
	v12 =	vld [tilespmem:s17+$0x45E0]  }
0xb6: {  	v16 =	vld [tilespmem:s17+$0x5F0];
	(xrf2) =	vadd.scan.msk.f32 $0xffff, v4  }
0xb7: {  	v1 =	vadd.f32 v19, v1;
	v4 =	vld [tilespmem:s17+$0x45F0];
	v11, _, _ =	vpop (xrf2)  }
0xb8: {  	v0 =	vmul.f32 v8, v0;
	v8 =	vmul.f32 v18, v14  }
0xb9: {  	(xrf2) =	vadd.scan.msk.f32 $0xffff, v1  }
0xba: {  	v0 =	vadd.f32 v8, v0;
	v1 =	vmul.f32 v12, v7;
	v7, _, _ =	vpop (xrf2)  }
0xbb: {  	v11 =	vbroadcast v11, $0xF;
	v7 =	vbroadcast v7, $0xF  }
0xbc: {  	v9 =	vbroadcast v9, $0xF;
	v4 =	vmul.f32 v4, v16;
	(xrf2) =	vadd.scan.msk.f32 $0xffff, v0  }
0xbd: {  	v0 =	vsel vm0, v11, v7;
	v7 =	vbroadcast v10, $0xF;
	v8, _, _ =	vpop (xrf2)  }
0xbe: {  	v0 =	vsel vm1, v0, v9;
	v9 =	vbroadcast v8, $0xF;
	v1 =	vadd.f32 v4, v1  }
0xbf: {  	v4 =	vbroadcast v13, $0xF;
	v0 =	vsel vm2, v0, v7  }
0xc0: {  	v7 =	vbroadcast v15, $0xF;
	v0 =	vsel vm3, v0, v9;
	v8, _, _ =	vpop (xrf2);
	(xrf2) =	vadd.scan.msk.f32 $0xffff, v1  }
0xc1: {  	v0 =	vsel vm4, v0, v4;
	v1 =	vbroadcast v8, $0xF  }
0xc2: {  	v4 =	vbroadcast v17, $0xF;
	v0 =	vsel vm5, v0, v7  }
0xc3: {  	v0 =	vsel vm6, v0, v1;
	v1 =	vbroadcast v6, $0xF;
	v6, _, _ =	vpop (xrf2)  }
0xc4: {  	v0 =	vsel vm7, v0, v4;
	v6 =	vbroadcast v6, $0xF  }
0xc5: {  	v0 =	vsel vm8, v0, v1;
	v1 =	vbroadcast v5, $0xF  }
0xc6: {  	v3 =	vbroadcast v3, $0xF;
	v0 =	vsel vm9, v0, v6;
	v4, _, _ =	vpop (xrf2)  }
0xc7: {  	v0 =	vsel vm10, v0, v1;
	v4 =	vbroadcast v4, $0xF  }
0xc8: {  	v2 =	vbroadcast v2, $0xF;
	v0 =	vsel vm11, v0, v3  }
0xc9: {  	v0 =	vsel vm12, v0, v4  }
0xca: {  	v0 =	vsel vm13, v0, v2;
	v1, _, _ =	vpop (xrf2)  }
0xcb: {  	s16 =	sadd.s32 $0x10, s16;
	v0 =	vsel vm14, v0, v1  }
0xcc: {  	s17 =	sshra.s32 s18, $0x2;
	[tilespmem:s16+$0x0] =	vst v0  }
0xcd: {  	v2 =	vld [tilespmem:s17+$0x5C0]  }
0xce: {  	v3 =	vld [tilespmem:s17+$0x45C0]  }
0xcf: {  	v5 =	vld [tilespmem:s17+$0x5D0]  }
0xd0: {  	v6 =	vld [tilespmem:s17+$0x45D0]  }
0xd1: {  	v0 =	vld [tilespmem:s17+$0x5A0]  }
0xd2: {  	v7 =	vld [tilespmem:s17+$0x580]  }
0xd3: {  	v8 =	vld [tilespmem:s17+$0x4580]  }
0xd4: {  	v9 =	vld [tilespmem:s17+$0x590]  }
0xd5: {  	v10 =	vld [tilespmem:s17+$0x4590]  }
0xd6: {  	v11 =	vld [tilespmem:s17+$0x560]  }
0xd7: {  	v12 =	vld [tilespmem:s17+$0x4560]  }
0xd8: {  	v13 =	vld [tilespmem:s17+$0x570]  }
0xd9: {  	v14 =	vld [tilespmem:s17+$0x4570]  }
0xda: {  	v1 =	vld [tilespmem:s17+$0x540]  }
0xdb: {  	v15 =	vld [tilespmem:s17+$0x520]  }
0xdc: {  	v16 =	vld [tilespmem:s17+$0x4520]  }
0xdd: {  	v17 =	vld [tilespmem:s17+$0x530]  }
0xde: {  	v18 =	vld [tilespmem:s17+$0x4530]  }
0xdf: {  	v19 =	vld [tilespmem:s17+$0x500]  }
0xe0: {  	v20 =	vld [tilespmem:s17+$0x4500]  }
0xe1: {  	v21 =	vld [tilespmem:s17+$0x510]  }
0xe2: {  	v22 =	vld [tilespmem:s17+$0x4510]  }
0xe3: {  	v2 =	vmul.f32 v3, v2;
	v3 =	vmul.f32 v6, v5;
	v4 =	vld [tilespmem:s17+$0x4E0]  }
0xe4: {  	v5 =	vld [tilespmem:s17+$0x4C0]  }
0xe5: {  	v2 =	vadd.f32 v3, v2;
	v6 =	vld [tilespmem:s17+$0x44C0]  }
0xe6: {  	v7 =	vmul.f32 v8, v7;
	v8 =	vmul.f32 v10, v9;
	v3 =	vld [tilespmem:s17+$0x4D0]  }
0xe7: {  	v9 =	vld [tilespmem:s17+$0x44D0];
	(xrf2) =	vadd.scan.msk.f32 $0xffff, v2  }
0xe8: {  	v2 =	vadd.f32 v8, v7;
	v10 =	vld [tilespmem:s17+$0x4A0]  }
0xe9: {  	v7 =	vmul.f32 v12, v11;
	v8 =	vmul.f32 v14, v13;
	v23 =	vld [tilespmem:s17+$0x44A0]  }
0xea: {  	v11 =	vld [tilespmem:s17+$0x4B0];
	(xrf2) =	vadd.scan.msk.f32 $0xffff, v2  }
0xeb: {  	v2 =	vadd.f32 v8, v7;
	v12 =	vld [tilespmem:s17+$0x44B0]  }
0xec: {  	v13 =	vmul.f32 v18, v17;
	v8 =	vmul.f32 v16, v15;
	v7 =	vld [tilespmem:s17+$0x480]  }
0xed: {  	v14 =	vld [tilespmem:s17+$0x460];
	(xrf2) =	vadd.scan.msk.f32 $0xffff, v2  }
0xee: {  	v24 =	vadd.f32 v13, v8;
	v15 =	vld [tilespmem:s17+$0x4460]  }
0xef: {  	v16 =	vmul.f32 v22, v21;
	v8 =	vmul.f32 v20, v19;
	v13 =	vld [tilespmem:s17+$0x470]  }
0xf0: {  	v17 =	vld [tilespmem:s17+$0x4470];
	(xrf2) =	vadd.scan.msk.f32 $0xffff, v24  }
0xf1: {  	v8 =	vadd.f32 v16, v8;
	v18 =	vld [tilespmem:s17+$0x440];
	v2, _, _ =	vpop (xrf2)  }
0xf2: {  	v5 =	vmul.f32 v6, v5;
	v6 =	vmul.f32 v9, v3;
	v16 =	vld [tilespmem:s17+$0x4440]  }
0xf3: {  	v19 =	vld [tilespmem:s17+$0x450];
	(xrf2) =	vadd.scan.msk.f32 $0xffff, v8  }
0xf4: {  	v21 =	vadd.f32 v6, v5;
	v20 =	vld [tilespmem:s17+$0x4450];
	v3, _, _ =	vpop (xrf2)  }
0xf5: {  	v6 =	vmul.f32 v23, v10;
	v11 =	vmul.f32 v12, v11;
	v8 =	vld [tilespmem:s17+$0x4400]  }
0xf6: {  	v9 =	vld [tilespmem:s17+$0x400];
	(xrf2) =	vadd.scan.msk.f32 $0xffff, v21  }
.Ltmp0:
0xf7: {  	v21 =	vadd.f32 v11, v6;
	v10 =	vld [tilespmem:s17+$0x410];
	v5, _, _ =	vpop (xrf2);
	(pc) =	sbr.rel @p0 .LBB2_2-.Ltmp0, $4  }
0xf8: {  	v14 =	vmul.f32 v15, v14;
	v15 =	vmul.f32 v17, v13;
	v12 =	vld [tilespmem:s17+$0x4410]  }
0xf9: {  	v11 =	vld [tilespmem:s17+$0x420];
	(xrf2) =	vadd.scan.msk.f32 $0xffff, v21  }
0xfa: {  	v15 =	vadd.f32 v15, v14;
	v13 =	vld [tilespmem:s17+$0x4420];
	v6, _, _ =	vpop (xrf2)  }
0xfb: {  	s18 =	sadd.s32 $0x800, s18;
	v16 =	vmul.f32 v16, v18;
	v17 =	vmul.f32 v20, v19;
	v14 =	vld [tilespmem:s17+$0x430]  }
0xfc: {  	v18 =	vld [tilespmem:s17+$0x4430]  }
0xfd: {  	v19 =	vld [tilespmem:s17+$0x4480]  }
0xfe: {  	v20 =	vld [tilespmem:s17+$0x490]  }
0xff: {  	v21 =	vld [tilespmem:s17+$0x4490]  }
0x100: {  	v8 =	vmul.f32 v8, v9;
	v63 =	vld [tilespmem:s17+$0x44E0];
	v62 =	vmul.f32 v12, v10  }
0x101: {  	v24 =	vld [tilespmem:s17+$0x4F0];
	v22 =	vadd.f32 v17, v16;
	v11 =	vmul.f32 v13, v11;
	v23 =	vmul.f32 v18, v14  }
0x102: {  	(xrf2) =	vadd.scan.msk.f32 $0xffff, v15;
	v25 =	vld [tilespmem:s17+$0x44F0];
	v8 =	vadd.f32 v62, v8  }
0x103: {  	v26 =	vld [tilespmem:s17+$0x4540];
	(xrf2) =	vadd.scan.msk.f32 $0xffff, v22;
	v11 =	vadd.f32 v23, v11  }
0x104: {  	v28 =	vld [tilespmem:s17+$0x550];
	(xrf2) =	vadd.scan.msk.f32 $0xffff, v8;
	v7 =	vmul.f32 v19, v7;
	v27 =	vmul.f32 v21, v20  }
0x105: {  	v29 =	vld [tilespmem:s17+$0x4550];
	(xrf2) =	vadd.scan.msk.f32 $0xffff, v11  }
0x106: {  	v30 =	vld [tilespmem:s17+$0x45A0];
	v7 =	vadd.f32 v27, v7  }
0x107: {  	v31 =	vld [tilespmem:s17+$0x5B0];
	v4 =	vmul.f32 v63, v4;
	v9 =	vmul.f32 v25, v24  }
0x108: {  	v32 =	vld [tilespmem:s17+$0x45B0];
	(xrf2) =	vadd.scan.msk.f32 $0xffff, v7  }
0x109: {  	v34 =	vld [tilespmem:s17+$0x5E0];
	v33, _, _ =	vpop (xrf2);
	v4 =	vadd.f32 v9, v4  }
0x10a: {  	v37 =	vld [tilespmem:s17+$0x45E0];
	v35, _, _ =	vpop (xrf2);
	v1 =	vmul.f32 v26, v1;
	v36 =	vmul.f32 v29, v28  }
0x10b: {  	v39 =	vld [tilespmem:s17+$0x5F0];
	v38, _, _ =	vpop (xrf2);
	(xrf2) =	vadd.scan.msk.f32 $0xffff, v4  }
0x10c: {  	v41 =	vld [tilespmem:s17+$0x45F0];
	v1 =	vadd.f32 v36, v1;
	v40, _, _ =	vpop (xrf2)  }
0x10d: {  	v0 =	vmul.f32 v30, v0;
	v43 =	vmul.f32 v32, v31;
	v42, _, _ =	vpop (xrf2)  }
0x10e: {  	(xrf2) =	vadd.scan.msk.f32 $0xffff, v1;
	v44, _, _ =	vpop (xrf2)  }
0x10f: {  	v45 =	vmul.f32 v37, v34;
	v0 =	vadd.f32 v43, v0;
	v46, _, _ =	vpop (xrf2)  }
0x110: {  	v47 =	vbroadcast v44, $0xF;
	v8 =	vbroadcast v46, $0xF  }
0x111: {  	v49 =	vmul.f32 v41, v39;
	(xrf2) =	vadd.scan.msk.f32 $0xffff, v0;
	v48 =	vbroadcast v42, $0xF  }
0x112: {  	v4 =	vbroadcast v40, $0xF;
	v51, _, _ =	vpop (xrf2);
	v50 =	vsel vm0, v47, v8  }
0x113: {  	v1 =	vadd.f32 v49, v45;
	v8 =	vbroadcast v51, $0xF;
	v0 =	vsel vm1, v50, v48  }
0x114: {  	v52 =	vbroadcast v38, $0xF;
	v0 =	vsel vm2, v0, v4  }
0x115: {  	v53 =	vbroadcast v35, $0xF;
	v54, _, _ =	vpop (xrf2);
	(xrf2) =	vadd.scan.msk.f32 $0xffff, v1;
	v0 =	vsel vm3, v0, v8  }
0x116: {  	v55 =	vbroadcast v54, $0xF;
	v0 =	vsel vm4, v0, v52  }
0x117: {  	v56 =	vbroadcast v33, $0xF;
	v0 =	vsel vm5, v0, v53  }
0x118: {  	v57 =	vbroadcast v6, $0xF;
	v58, _, _ =	vpop (xrf2);
	v0 =	vsel vm6, v0, v55  }
0x119: {  	v59 =	vbroadcast v58, $0xF;
	v0 =	vsel vm7, v0, v56  }
0x11a: {  	v60 =	vbroadcast v5, $0xF;
	v0 =	vsel vm8, v0, v57  }
0x11b: {  	v3 =	vbroadcast v3, $0xF;
	v61, _, _ =	vpop (xrf2);
	v0 =	vsel vm9, v0, v59  }
0x11c: {  	v62 =	vbroadcast v61, $0xF;
	v0 =	vsel vm10, v0, v60  }
0x11d: {  	v2 =	vbroadcast v2, $0xF;
	v0 =	vsel vm11, v0, v3  }
0x11e: {  	v0 =	vsel vm12, v0, v62  }
0x11f: {  	s15 =	sadd.s32 $0x1, s15;
	v63, _, _ =	vpop (xrf2);
	v0 =	vsel vm13, v0, v2  }
0x120: {  	s16 =	sadd.s32 $0x10, s16;
	p0 =	sne.s32 s15, s8;
	v0 =	vsel vm14, v0, v63  }
.Ltmp1:
0x121: {  	[tilespmem:s16+$0x0] =	vst v0;
	(pc) =	sbr.rel @p0 .LBB2_1-.Ltmp1, $4  }
0x122: {  	[hbm4b:s7+s1] =	stream.linear.scatter [tilespmem:s14], [sflag:$0x2], $0x200, $0x38;
	[tilespmem:$0x8600] =	vst v63  }
0x123: {  	_ =	swait.ge [sflag:s9], $0x200  }
0x124: {  	[sflag:s9] =	ssyncset.done $0x0  }
0x125: {  	[sflag:s9] =	ssyncadd.s32 $0xFFFFFE00  }
0x126: {  	_ =	sfence.sel $0x180000  }
0x127: {  	[bflag:$0x0] =	sbarrier.arrive $0xFFFF  }
0x128: {  	p0 =	sne.s32 s2, $0x0;
	_ =	strace $0x90000047  }
0x129: {  	s0 =	sadd.s32 @!p0 $0x100000, s0;
	[bflag:$0x2] =	sbarrier.arrive $0xFFFF  }
0x12a: {  	[sflag:s0] =	ssyncadd.tile.s32 @!p0 $0x1;
	_ =	shalt  }
.Lfunc_end2:
_tile_overlayer_lowered:
.L_overlay_start_2:
0x12b: {  	(tag) =	ssettag $0x2  }
0x12c: {  	s0 =	rddreg [dreg:$0x0];
	s2 =	stileid.u32  }
0x12d: {  	s1 =	rddreg [dreg:$0x1];
	p0 =	sne.s32 s2, $0x0  }
0x12e: {  	s3 =	rddreg [dreg:$0x2];
	[bflag:$0x3] =	sbarrier.arrive $0xFFFF;
	s2 =	simm.s32 @!p0 $0x1C02  }
0x12f: {  	[timem:s3], [sflag:s2] =	dma.local @!p0 [hbm:s0], s1  }
0x130: {  	s0 =	simm.s32 @!p0 $0x2  }
0x131: {  	_ =	swait.ge @!p0 [sflag:s0], s1  }
0x132: {  	s1 =	ssub.s32 @!p0 $0x0, s1;
	[sflag:s0] =	ssyncset.done @!p0 $0x0  }
0x133: {  	[sflag:s0] =	ssyncadd.s32 @!p0 s1  }
0x134: {  	[bflag:$0x3] =	sbarrier.arrive $0xFFFF  }
0x135: {  	_ =	shalt  }

</sc_bundles>
